<compile_context>
chip_gen: v7x
topology: tpu7x:2x2x1
jax: 0.10.2.dev20260603
libtpu: 0.0.44.dev20260713+nightly
codegen_flags: <defaults>
</compile_context>

<pallas_src>
import functools

import jax
import jax.numpy as jnp
from jax import lax
from jax.experimental import pallas as pl
from jax.experimental.pallas import tpu as pltpu
from jax.experimental.pallas import tpu_sc as plsc

AUX_W = 0.01
BT = 128
NW = 32


def _route_body(n, e, g, x_ref, rw_ref, pos_ref, be_ref, aux_ref):
    xb = x_ref[...]
    rw = rw_ref[...]
    logits = lax.dot_general(xb, rw, (((1,), (1,)), ((), ())),
                             preferred_element_type=jnp.float32)
    m = jnp.max(logits, axis=1, keepdims=True)
    p = jnp.exp(logits - m)
    probs = p / jnp.sum(p, axis=1, keepdims=True)
    usage = jnp.sum(probs, axis=0, keepdims=True) / n
    aux_ref[...] = e * jnp.sum(usage * usage, axis=1, keepdims=True) * AUX_W

    col = lax.broadcasted_iota(jnp.int32, (n, e), 1)
    pm = jnp.max(probs, axis=1, keepdims=True)
    eidx = jnp.min(jnp.where(probs == pm, col, e), axis=1)
    onehot = (col == eidx[:, None]).astype(jnp.float32)

    cb = 512
    tri = (lax.broadcasted_iota(jnp.int32, (cb, cb), 0)
           >= lax.broadcasted_iota(jnp.int32, (cb, cb), 1)).astype(jnp.float32)
    counts = jnp.zeros((1, e), jnp.float32)
    ranks = []
    for c in range(n // cb):
        oh = onehot[c * cb:(c + 1) * cb]
        incl = lax.dot_general(tri, oh, (((1,), (0,)), ((), ())),
                               preferred_element_type=jnp.float32) + counts
        ranks.append(jnp.sum(incl * oh, axis=1) - 1.0)
        counts = counts + jnp.sum(oh, axis=0, keepdims=True)
    rank = jnp.concatenate(ranks, axis=0)

    pc = (((counts.astype(jnp.int32) + BT - 1) // BT) * BT).astype(jnp.float32)
    ustrict = (lax.broadcasted_iota(jnp.int32, (e, e), 0)
               < lax.broadcasted_iota(jnp.int32, (e, e), 1)).astype(jnp.float32)
    pad_off = lax.dot_general(pc, ustrict, (((1,), (0,)), ((), ())),
                              preferred_element_type=jnp.float32)
    pos = jnp.sum(onehot * pad_off, axis=1) + rank
    pos_ref[...] = pos.astype(jnp.int32)

    ends = pad_off + pc
    gstart = lax.broadcasted_iota(jnp.int32, (g, e), 0).astype(jnp.float32) * BT
    owner = jnp.sum((gstart >= ends).astype(jnp.float32), axis=1)
    total_padded = jnp.sum(pc, axis=1)
    active = (gstart[:, 0] < total_padded).astype(jnp.int32)
    be_ref[...] = jnp.concatenate(
        [jnp.minimum(owner, e - 1).astype(jnp.int32), active], axis=0)


def _ffn_body(g, be_ref, px_ref, w1_ref, w3_ref, w2_ref, y_ref):
    pid = pl.program_id(0)

    @pl.when(be_ref[g + pid] == 1)
    def _():
        xb = px_ref[...]
        h1 = lax.dot_general(xb, w1_ref[0], (((1,), (1,)), ((), ())),
                             preferred_element_type=jnp.float32)
        h3 = lax.dot_general(xb, w3_ref[0], (((1,), (1,)), ((), ())),
                             preferred_element_type=jnp.float32)
        h = h1 / (1.0 + jnp.exp(-h1)) * h3
        y_ref[...] = lax.dot_general(h, w2_ref[0], (((1,), (1,)), ((), ())),
                                     preferred_element_type=jnp.float32)


def _sc_scatter_rows(x_flat, pos, p_rows):
    n, c = x_flat.shape
    bpw = n // NW
    mesh = plsc.VectorSubcoreMesh(core_axis_name="c", subcore_axis_name="s")

    @functools.partial(
        pl.kernel, mesh=mesh,
        out_type=jax.ShapeDtypeStruct((p_rows, c), jnp.float32),
        scratch_types=[
            pltpu.VMEM((bpw,), jnp.int32),
            pltpu.VMEM((bpw, c), jnp.float32),
            pltpu.SemaphoreType.DMA,
        ],
    )
    def k(x_hbm, pos_hbm, px_hbm, idx_v, rows_v, sem):
        wid = lax.axis_index("s") * 2 + lax.axis_index("c")
        base = wid * bpw
        pltpu.sync_copy(pos_hbm.at[pl.ds(base, bpw)], idx_v)
        pltpu.sync_copy(x_hbm.at[pl.ds(base, bpw)], rows_v)
        pltpu.async_copy(rows_v, px_hbm.at[idx_v], sem).wait()

    return k(x_flat, pos)


def _sc_gather_rows(y, pos, n):
    _, c = y.shape
    bpw = n // NW
    mesh = plsc.VectorSubcoreMesh(core_axis_name="c", subcore_axis_name="s")

    @functools.partial(
        pl.kernel, mesh=mesh,
        out_type=jax.ShapeDtypeStruct((n, c), jnp.float32),
        scratch_types=[
            pltpu.VMEM((bpw,), jnp.int32),
            pltpu.VMEM((bpw, c), jnp.float32),
            pltpu.SemaphoreType.DMA,
        ],
    )
    def k(y_hbm, pos_hbm, out_hbm, idx_v, rows_v, sem):
        wid = lax.axis_index("s") * 2 + lax.axis_index("c")
        base = wid * bpw
        pltpu.sync_copy(pos_hbm.at[pl.ds(base, bpw)], idx_v)
        pltpu.async_copy(y_hbm.at[idx_v], rows_v, sem).wait()
        pltpu.sync_copy(rows_v, out_hbm.at[pl.ds(base, bpw)])

    return k(y, pos)


def kernel(x, router_w, w1, w2, w3):
    b, t, c = x.shape
    n = b * t
    e, h, _ = w1.shape
    g = n // BT + e
    p_rows = g * BT
    x_flat = x.reshape(n, c)

    pos, be, aux = pl.pallas_call(
        functools.partial(_route_body, n, e, g),
        out_shape=[
            jax.ShapeDtypeStruct((n,), jnp.int32),
            jax.ShapeDtypeStruct((2 * g,), jnp.int32),
            jax.ShapeDtypeStruct((1, 1), jnp.float32),
        ],
    )(x_flat, router_w)

    px = _sc_scatter_rows(x_flat, pos, p_rows)

    def _row_idx(i, be_s):
        act = be_s[g + i]
        return (act * i + (1 - act) * (g - 1), 0)

    grid_spec = pltpu.PrefetchScalarGridSpec(
        num_scalar_prefetch=1,
        grid=(g,),
        in_specs=[
            pl.BlockSpec((BT, c), _row_idx),
            pl.BlockSpec((1, h, c), lambda i, be_s: (be_s[i], 0, 0)),
            pl.BlockSpec((1, h, c), lambda i, be_s: (be_s[i], 0, 0)),
            pl.BlockSpec((1, c, h), lambda i, be_s: (be_s[i], 0, 0)),
        ],
        out_specs=pl.BlockSpec((BT, c), _row_idx),
    )
    y = pl.pallas_call(
        functools.partial(_ffn_body, g),
        grid_spec=grid_spec,
        out_shape=jax.ShapeDtypeStruct((p_rows, c), jnp.float32),
    )(be, px, w1, w3, w2)

    out = _sc_gather_rows(y, pos, n)
    return out.reshape(b, t, c), aux.reshape(())

# --- scband reference (transcript-rebuilt; emitter-appended) ---
"""Pipeline reference for scband-sparse-mo-e-81922206204119 (READ-ONLY COPY).

The authoritative reference and input builder live on the scoring server;
editing this copy changes nothing except your own understanding.
"""

import jax, jax.numpy as jnp
import numpy as np

D_MODEL = 768
D_FF = 2048
HIDDEN = ((int(D_FF * 2 / 3) + 63) // 64) * 64  # 1408
NUM_EXPERTS = 64
TOP_K = 1
AUX_W = 0.01


def setup_inputs(seed: int = 0) -> dict:
    key = jax.random.key(seed)
    ks = jax.random.split(key, 5)
    x = jax.random.normal(ks[0], (2, 2048, D_MODEL), dtype=jnp.float32)
    router_w = jax.random.normal(ks[1], (NUM_EXPERTS, D_MODEL), dtype=jnp.float32) * 0.02
    w1 = jax.random.normal(ks[2], (NUM_EXPERTS, HIDDEN, D_MODEL), dtype=jnp.float32) * 0.02
    w2 = jax.random.normal(ks[3], (NUM_EXPERTS, D_MODEL, HIDDEN), dtype=jnp.float32) * 0.02
    w3 = jax.random.normal(ks[4], (NUM_EXPERTS, HIDDEN, D_MODEL), dtype=jnp.float32) * 0.02
    return {"x": x, "router_w": router_w, "w1": w1, "w2": w2, "w3": w3}


def reference(x, router_w, w1, w2, w3):
    B, T, C = x.shape
    x_flat = x.reshape(-1, C)
    router_logits = x_flat @ router_w.T
    router_probs = jax.nn.softmax(router_logits, axis=-1)
    topk_w, topk_idx = jax.lax.top_k(router_probs, TOP_K)
    topk_w = topk_w / jnp.sum(topk_w, axis=-1, keepdims=True)
    out = jnp.zeros_like(x_flat)
    for e in range(NUM_EXPERTS):
        expert_weight = jnp.where(topk_idx == e, topk_w, jnp.zeros_like(topk_w)).sum(axis=-1)
        h = jax.nn.silu(x_flat @ w1[e].T) * (x_flat @ w3[e].T)
        ye = h @ w2[e].T
        out = out + ye * expert_weight[:, None]
    usage = router_probs.mean(axis=0)
    aux_loss = NUM_EXPERTS * jnp.sum(usage * usage) * AUX_W
    return out.reshape(B, T, C), aux_loss

if __name__ == "__main__":
    import jax
    _d = setup_inputs()
    print(jax.jit(kernel)(*tuple(_d.values())))

</pallas_src>

<mosaic_0001>
#map = affine_map<(d0, d1) -> (0, 0)>
#map1 = affine_map<(d0, d1) -> (0)>
module attributes {stable_mosaic.version = 14 : i64} {
  func.func @k(%arg0: i32, %arg1: i32, %arg2: memref<12288x768xf32, #tpu.memory_space<hbm>>, %arg3: memref<4096xi32, #tpu.memory_space<hbm>>, %arg4: memref<4096x768xf32, #tpu.memory_space<hbm>>, %arg5: memref<128xi32, #tpu.memory_space<vmem>>, %arg6: memref<128x768xf32, #tpu.memory_space<vmem>>, %arg7: memref<!tpu.dma_semaphore, #tpu.memory_space<semaphore_mem>>) attributes {dimension_semantics = [#tpu.dimension_semantics<core_parallel>, #tpu.dimension_semantics<subcore_parallel>], iteration_bounds = array<i64: 2, 16>, scalar_prefetch = 0 : i64, scratch_operands = 3 : i64, tpu.core_type = #tpu.core_type<sc_vector_subcore>, window_params = [{transform_indices = #map}, {transform_indices = #map1}, {transform_indices = #map}]} {
    %mul3A = arith.constant 2 : i32
    %mul3A_0 = arith.muli %arg1, %mul3A : i32
    %add3A = arith.addi %mul3A_0, %arg0 : i32
    %mul3A_1 = arith.constant 128 : i32
    %mul3A_2 = arith.muli %add3A, %mul3A_1 : i32
    "tpu.region"() ({
      %run_scoped3A = tpu.sem_alloc : memref<!tpu.dma_semaphore, #tpu.memory_space<semaphore_mem>>
      %dma_start3A_7 = tpu.memref_slice %arg3[%mul3A_2] : memref<4096xi32, #tpu.memory_space<hbm>> -> memref<128xi32, #tpu.memory_space<hbm>>
      %dma_start3A_8 = tpu.memref_slice %arg3[%mul3A_2] : memref<4096xi32, #tpu.memory_space<hbm>> -> memref<128xi32, #tpu.memory_space<hbm>>
      tpu.enqueue_dma source(%dma_start3A_8 : memref<128xi32, #tpu.memory_space<hbm>>) target(%arg5 : memref<128xi32, #tpu.memory_space<vmem>>) target_semaphore(%run_scoped3A : memref<!tpu.dma_semaphore, #tpu.memory_space<semaphore_mem>>)
      %dma_wait3A_9 = tpu.memref_slice %arg3[%mul3A_2] : memref<4096xi32, #tpu.memory_space<hbm>> -> memref<128xi32, #tpu.memory_space<hbm>>
      %dma_wait3A_10 = tpu.memref_slice %arg3[%mul3A_2] : memref<4096xi32, #tpu.memory_space<hbm>> -> memref<128xi32, #tpu.memory_space<hbm>>
      tpu.wait_dma2 semaphore(%run_scoped3A : memref<!tpu.dma_semaphore, #tpu.memory_space<semaphore_mem>>) src(%dma_wait3A_10 : memref<128xi32, #tpu.memory_space<hbm>>) dst(%arg5 : memref<128xi32, #tpu.memory_space<vmem>>)
      tpu.yield
    }) : () -> ()
    %dma_start3A = arith.constant 0 : i32
    %dma_start3A_3 = arith.constant 0 : i32
    %dma_start3A_4 = tpu.memref_slice %arg2[%dma_start3A, %dma_start3A_3] : memref<12288x768xf32, #tpu.memory_space<hbm>> -> memref<12288x768xf32, #tpu.memory_space<hbm>>
    tpu.enqueue_indirect_dma source(%dma_start3A_4 : memref<12288x768xf32, #tpu.memory_space<hbm>>) target(%arg6 : memref<128x768xf32, #tpu.memory_space<vmem>>) offsets(%arg5 : memref<128xi32, #tpu.memory_space<vmem>>) semaphore(%arg7 : memref<!tpu.dma_semaphore, #tpu.memory_space<semaphore_mem>>)
    %dma_wait3A = arith.constant 0 : i32
    %dma_wait3A_5 = arith.constant 0 : i32
    %dma_wait3A_6 = tpu.memref_slice %arg2[%dma_wait3A, %dma_wait3A_5] : memref<12288x768xf32, #tpu.memory_space<hbm>> -> memref<12288x768xf32, #tpu.memory_space<hbm>>
    tpu.wait_indirect_dma semaphore(%arg7 : memref<!tpu.dma_semaphore, #tpu.memory_space<semaphore_mem>>) src(%dma_wait3A_6 : memref<12288x768xf32, #tpu.memory_space<hbm>>) dst(%arg6 : memref<128x768xf32, #tpu.memory_space<vmem>>)
    "tpu.region"() ({
      %run_scoped3A = tpu.sem_alloc : memref<!tpu.dma_semaphore, #tpu.memory_space<semaphore_mem>>
      %dma_start3A_7 = arith.constant 0 : i32
      %dma_start3A_8 = tpu.memref_slice %arg4[%mul3A_2, %dma_start3A_7] : memref<4096x768xf32, #tpu.memory_space<hbm>> -> memref<128x768xf32, #tpu.memory_space<hbm>>
      %dma_start3A_9 = arith.constant 0 : i32
      %dma_start3A_10 = tpu.memref_slice %arg4[%mul3A_2, %dma_start3A_9] : memref<4096x768xf32, #tpu.memory_space<hbm>> -> memref<128x768xf32, #tpu.memory_space<hbm>>
      tpu.enqueue_dma source(%arg6 : memref<128x768xf32, #tpu.memory_space<vmem>>) target(%dma_start3A_10 : memref<128x768xf32, #tpu.memory_space<hbm>>) target_semaphore(%run_scoped3A : memref<!tpu.dma_semaphore, #tpu.memory_space<semaphore_mem>>)
      %dma_wait3A_11 = arith.constant 0 : i32
      %dma_wait3A_12 = tpu.memref_slice %arg4[%mul3A_2, %dma_wait3A_11] : memref<4096x768xf32, #tpu.memory_space<hbm>> -> memref<128x768xf32, #tpu.memory_space<hbm>>
      %dma_wait3A_13 = arith.constant 0 : i32
      %dma_wait3A_14 = tpu.memref_slice %arg4[%mul3A_2, %dma_wait3A_13] : memref<4096x768xf32, #tpu.memory_space<hbm>> -> memref<128x768xf32, #tpu.memory_space<hbm>>
      tpu.wait_dma2 semaphore(%run_scoped3A : memref<!tpu.dma_semaphore, #tpu.memory_space<semaphore_mem>>) src(%arg6 : memref<128x768xf32, #tpu.memory_space<vmem>>) dst(%dma_wait3A_14 : memref<128x768xf32, #tpu.memory_space<hbm>>)
      tpu.yield
    }) : () -> ()
    return
  }
}

#map = affine_map<(d0, d1) -> (0, 0)>
#map1 = affine_map<(d0, d1) -> (0)>
module attributes {stable_mosaic.version = 14 : i64} {
  func.func @k(%arg0: i32, %arg1: i32, %arg2: memref<4096x768xf32, #tpu.memory_space<hbm>>, %arg3: memref<4096xi32, #tpu.memory_space<hbm>>, %arg4: memref<12288x768xf32, #tpu.memory_space<hbm>>, %arg5: memref<128xi32, #tpu.memory_space<vmem>>, %arg6: memref<128x768xf32, #tpu.memory_space<vmem>>, %arg7: memref<!tpu.dma_semaphore, #tpu.memory_space<semaphore_mem>>) attributes {dimension_semantics = [#tpu.dimension_semantics<core_parallel>, #tpu.dimension_semantics<subcore_parallel>], iteration_bounds = array<i64: 2, 16>, scalar_prefetch = 0 : i64, scratch_operands = 3 : i64, tpu.core_type = #tpu.core_type<sc_vector_subcore>, window_params = [{transform_indices = #map}, {transform_indices = #map1}, {transform_indices = #map}]} {
    %mul3A = arith.constant 2 : i32
    %mul3A_0 = arith.muli %arg1, %mul3A : i32
    %add3A = arith.addi %mul3A_0, %arg0 : i32
    %mul3A_1 = arith.constant 128 : i32
    %mul3A_2 = arith.muli %add3A, %mul3A_1 : i32
    "tpu.region"() ({
      %run_scoped3A = tpu.sem_alloc : memref<!tpu.dma_semaphore, #tpu.memory_space<semaphore_mem>>
      %dma_start3A_7 = tpu.memref_slice %arg3[%mul3A_2] : memref<4096xi32, #tpu.memory_space<hbm>> -> memref<128xi32, #tpu.memory_space<hbm>>
      %dma_start3A_8 = tpu.memref_slice %arg3[%mul3A_2] : memref<4096xi32, #tpu.memory_space<hbm>> -> memref<128xi32, #tpu.memory_space<hbm>>
      tpu.enqueue_dma source(%dma_start3A_8 : memref<128xi32, #tpu.memory_space<hbm>>) target(%arg5 : memref<128xi32, #tpu.memory_space<vmem>>) target_semaphore(%run_scoped3A : memref<!tpu.dma_semaphore, #tpu.memory_space<semaphore_mem>>)
      %dma_wait3A_9 = tpu.memref_slice %arg3[%mul3A_2] : memref<4096xi32, #tpu.memory_space<hbm>> -> memref<128xi32, #tpu.memory_space<hbm>>
      %dma_wait3A_10 = tpu.memref_slice %arg3[%mul3A_2] : memref<4096xi32, #tpu.memory_space<hbm>> -> memref<128xi32, #tpu.memory_space<hbm>>
      tpu.wait_dma2 semaphore(%run_scoped3A : memref<!tpu.dma_semaphore, #tpu.memory_space<semaphore_mem>>) src(%dma_wait3A_10 : memref<128xi32, #tpu.memory_space<hbm>>) dst(%arg5 : memref<128xi32, #tpu.memory_space<vmem>>)
      tpu.yield
    }) : () -> ()
    "tpu.region"() ({
      %run_scoped3A = tpu.sem_alloc : memref<!tpu.dma_semaphore, #tpu.memory_space<semaphore_mem>>
      %dma_start3A_7 = arith.constant 0 : i32
      %dma_start3A_8 = tpu.memref_slice %arg2[%mul3A_2, %dma_start3A_7] : memref<4096x768xf32, #tpu.memory_space<hbm>> -> memref<128x768xf32, #tpu.memory_space<hbm>>
      %dma_start3A_9 = arith.constant 0 : i32
      %dma_start3A_10 = tpu.memref_slice %arg2[%mul3A_2, %dma_start3A_9] : memref<4096x768xf32, #tpu.memory_space<hbm>> -> memref<128x768xf32, #tpu.memory_space<hbm>>
      tpu.enqueue_dma source(%dma_start3A_10 : memref<128x768xf32, #tpu.memory_space<hbm>>) target(%arg6 : memref<128x768xf32, #tpu.memory_space<vmem>>) target_semaphore(%run_scoped3A : memref<!tpu.dma_semaphore, #tpu.memory_space<semaphore_mem>>)
      %dma_wait3A_11 = arith.constant 0 : i32
      %dma_wait3A_12 = tpu.memref_slice %arg2[%mul3A_2, %dma_wait3A_11] : memref<4096x768xf32, #tpu.memory_space<hbm>> -> memref<128x768xf32, #tpu.memory_space<hbm>>
      %dma_wait3A_13 = arith.constant 0 : i32
      %dma_wait3A_14 = tpu.memref_slice %arg2[%mul3A_2, %dma_wait3A_13] : memref<4096x768xf32, #tpu.memory_space<hbm>> -> memref<128x768xf32, #tpu.memory_space<hbm>>
      tpu.wait_dma2 semaphore(%run_scoped3A : memref<!tpu.dma_semaphore, #tpu.memory_space<semaphore_mem>>) src(%dma_wait3A_14 : memref<128x768xf32, #tpu.memory_space<hbm>>) dst(%arg6 : memref<128x768xf32, #tpu.memory_space<vmem>>)
      tpu.yield
    }) : () -> ()
    %dma_start3A = arith.constant 0 : i32
    %dma_start3A_3 = arith.constant 0 : i32
    %dma_start3A_4 = tpu.memref_slice %arg4[%dma_start3A, %dma_start3A_3] : memref<12288x768xf32, #tpu.memory_space<hbm>> -> memref<12288x768xf32, #tpu.memory_space<hbm>>
    tpu.enqueue_indirect_dma source(%arg6 : memref<128x768xf32, #tpu.memory_space<vmem>>) target(%dma_start3A_4 : memref<12288x768xf32, #tpu.memory_space<hbm>>) offsets(%arg5 : memref<128xi32, #tpu.memory_space<vmem>>) semaphore(%arg7 : memref<!tpu.dma_semaphore, #tpu.memory_space<semaphore_mem>>)
    %dma_wait3A = arith.constant 0 : i32
    %dma_wait3A_5 = arith.constant 0 : i32
    %dma_wait3A_6 = tpu.memref_slice %arg4[%dma_wait3A, %dma_wait3A_5] : memref<12288x768xf32, #tpu.memory_space<hbm>> -> memref<12288x768xf32, #tpu.memory_space<hbm>>
    tpu.wait_indirect_dma semaphore(%arg7 : memref<!tpu.dma_semaphore, #tpu.memory_space<semaphore_mem>>) src(%arg6 : memref<128x768xf32, #tpu.memory_space<vmem>>) dst(%dma_wait3A_6 : memref<12288x768xf32, #tpu.memory_space<hbm>>)
    return
  }
}

module attributes {stable_mosaic.version = 14 : i64} {
  func.func @_ffn_body(%arg0: i32, %arg1: memref<192xi32, #tpu.memory_space<smem>>, %arg2: memref<128x768xf32, #tpu.memory_space<vmem>>, %arg3: memref<1x1408x768xf32, #tpu.memory_space<vmem>>, %arg4: memref<1x1408x768xf32, #tpu.memory_space<vmem>>, %arg5: memref<1x768x1408xf32, #tpu.memory_space<vmem>>, %arg6: memref<128x768xf32, #tpu.memory_space<vmem>>) attributes {dimension_semantics = [#tpu.dimension_semantics<arbitrary>], iteration_bounds = array<i64: 96>, scalar_prefetch = 1 : i64, scratch_operands = 0 : i64, tpu.core_type = #tpu.core_type<tc>, window_params = [{transform_indices = @transform_0, window_bounds = array<i64: 128, 768>}, {transform_indices = @transform_1, window_bounds = array<i64: 1, 1408, 768>}, {transform_indices = @transform_2, window_bounds = array<i64: 1, 1408, 768>}, {transform_indices = @transform_3, window_bounds = array<i64: 1, 768, 1408>}, {transform_indices = @transform_4, window_bounds = array<i64: 128, 768>}]} {
    %add3A = arith.constant 96 : i32
    %add3A_0 = arith.addi %add3A, %arg0 : i32
    %get3A = arith.index_cast %add3A_0 : i32 to index
    %get3A_1 = memref.load %arg1[%get3A] : memref<192xi32, #tpu.memory_space<smem>>
    %eq3A = arith.constant 1 : i32
    %eq3A_2 = arith.cmpi eq, %get3A_1, %eq3A : i32
    %convert_element_type3A = arith.extui %eq3A_2 : i1 to i32
    %cond3A = arith.constant 0 : i32
    %cond3A_3 = arith.cmpi ne, %convert_element_type3A, %cond3A : i32
    scf.if %cond3A_3 {
      %get3A_4 = arith.constant 0 : index
      %get3A_5 = arith.constant 0 : index
      %get3A_6 = vector.load %arg2[%get3A_4, %get3A_5] : memref<128x768xf32, #tpu.memory_space<vmem>>, vector<128x768xf32>
      %get3A_7 = arith.constant 0 : index
      %get3A_8 = arith.constant 0 : index
      %get3A_9 = arith.constant 0 : index
      %get3A_10 = vector.load %arg3[%get3A_7, %get3A_8, %get3A_9] : memref<1x1408x768xf32, #tpu.memory_space<vmem>>, vector<1x1408x768xf32>
      %get3A_11 = vector.shape_cast %get3A_10 : vector<1x1408x768xf32> to vector<1408x768xf32>
      %dot_general3A = arith.constant dense<0.000000e+00> : vector<128x1408xf32>
      %dot_general3A_12 = tpu.matmul %get3A_6, %get3A_11, %dot_general3A {dimension_numbers = #tpu.dot_dimension_numbers<[1], [1], [0], [0], [0, 0, 1, 0], [], []>, transpose_lhs_hint = false} : vector<128x768xf32>, vector<1408x768xf32>, vector<128x1408xf32> -> vector<128x1408xf32>
      %get3A_13 = arith.constant 0 : index
      %get3A_14 = arith.constant 0 : index
      %get3A_15 = arith.constant 0 : index
      %get3A_16 = vector.load %arg4[%get3A_13, %get3A_14, %get3A_15] : memref<1x1408x768xf32, #tpu.memory_space<vmem>>, vector<1x1408x768xf32>
      %get3A_17 = vector.shape_cast %get3A_16 : vector<1x1408x768xf32> to vector<1408x768xf32>
      %dot_general3A_18 = arith.constant dense<0.000000e+00> : vector<128x1408xf32>
      %dot_general3A_19 = tpu.matmul %get3A_6, %get3A_17, %dot_general3A_18 {dimension_numbers = #tpu.dot_dimension_numbers<[1], [1], [0], [0], [0, 0, 1, 0], [], []>, transpose_lhs_hint = false} : vector<128x768xf32>, vector<1408x768xf32>, vector<128x1408xf32> -> vector<128x1408xf32>
      %neg3A = arith.constant 0.000000e+00 : f32
      %neg3A_20 = vector.broadcast %neg3A : f32 to vector<128x1408xf32>
      %neg3A_21 = arith.subf %neg3A_20, %dot_general3A_12 : vector<128x1408xf32>
      %exp3A = math.exp %neg3A_21 : vector<128x1408xf32>
      %add3A_22 = arith.constant 1.000000e+00 : f32
      %add3A_23 = vector.broadcast %add3A_22 : f32 to vector<128x1408xf32>
      %add3A_24 = arith.addf %add3A_23, %exp3A : vector<128x1408xf32>
      %div3A = arith.divf %dot_general3A_12, %add3A_24 : vector<128x1408xf32>
      %mul3A = arith.mulf %div3A, %dot_general3A_19 : vector<128x1408xf32>
      %get3A_25 = arith.constant 0 : index
      %get3A_26 = arith.constant 0 : index
      %get3A_27 = arith.constant 0 : index
      %get3A_28 = vector.load %arg5[%get3A_25, %get3A_26, %get3A_27] : memref<1x768x1408xf32, #tpu.memory_space<vmem>>, vector<1x768x1408xf32>
      %get3A_29 = vector.shape_cast %get3A_28 : vector<1x768x1408xf32> to vector<768x1408xf32>
      %dot_general3A_30 = arith.constant dense<0.000000e+00> : vector<128x768xf32>
      %dot_general3A_31 = tpu.matmul %mul3A, %get3A_29, %dot_general3A_30 {dimension_numbers = #tpu.dot_dimension_numbers<[1], [1], [0], [0], [0, 0, 1, 0], [], []>, transpose_lhs_hint = false} : vector<128x1408xf32>, vector<768x1408xf32>, vector<128x768xf32> -> vector<128x768xf32>
      %swap3A = arith.constant 0 : index
      %swap3A_32 = arith.constant 0 : index
      %swap3A_33 = vector.load %arg6[%swap3A, %swap3A_32] : memref<128x768xf32, #tpu.memory_space<vmem>>, vector<128x768xf32>
      tpu.vector_store %arg6[%swap3A, %swap3A_32], %dot_general3A_31 {strides = array<i32>} : memref<128x768xf32, #tpu.memory_space<vmem>>, vector<128x768xf32>,
    } else {
    }
    return
  }
  func.func @transform_0(%arg0: i32, %arg1: memref<192xi32, #tpu.memory_space<smem>>) -> (i32, i32) {
    %add3A = arith.constant 96 : i32
    %add3A_0 = arith.addi %add3A, %arg0 : i32
    %get3A = arith.index_cast %add3A_0 : i32 to index
    %get3A_1 = memref.load %arg1[%get3A] : memref<192xi32, #tpu.memory_space<smem>>
    %mul3A = arith.muli %get3A_1, %arg0 : i32
    %sub3A = arith.constant 1 : i32
    %sub3A_2 = arith.subi %sub3A, %get3A_1 : i32
    %mul3A_3 = arith.constant 95 : i32
    %mul3A_4 = arith.muli %sub3A_2, %mul3A_3 : i32
    %add3A_5 = arith.addi %mul3A, %mul3A_4 : i32
    %c0_i32 = arith.constant 0 : i32
    %c0_i32_6 = arith.constant 0 : i32
    return %add3A_5, %c0_i32 : i32, i32
  }
  func.func @transform_1(%arg0: i32, %arg1: memref<192xi32, #tpu.memory_space<smem>>) -> (i32, i32, i32) {
    %get3A = arith.index_cast %arg0 : i32 to index
    %get3A_0 = memref.load %arg1[%get3A] : memref<192xi32, #tpu.memory_space<smem>>
    %c0_i32 = arith.constant 0 : i32
    %c0_i32_1 = arith.constant 0 : i32
    %c0_i32_2 = arith.constant 0 : i32
    return %get3A_0, %c0_i32, %c0_i32_1 : i32, i32, i32
  }
  func.func @transform_2(%arg0: i32, %arg1: memref<192xi32, #tpu.memory_space<smem>>) -> (i32, i32, i32) {
    %get3A = arith.index_cast %arg0 : i32 to index
    %get3A_0 = memref.load %arg1[%get3A] : memref<192xi32, #tpu.memory_space<smem>>
    %c0_i32 = arith.constant 0 : i32
    %c0_i32_1 = arith.constant 0 : i32
    %c0_i32_2 = arith.constant 0 : i32
    return %get3A_0, %c0_i32, %c0_i32_1 : i32, i32, i32
  }
  func.func @transform_3(%arg0: i32, %arg1: memref<192xi32, #tpu.memory_space<smem>>) -> (i32, i32, i32) {
    %get3A = arith.index_cast %arg0 : i32 to index
    %get3A_0 = memref.load %arg1[%get3A] : memref<192xi32, #tpu.memory_space<smem>>
    %c0_i32 = arith.constant 0 : i32
    %c0_i32_1 = arith.constant 0 : i32
    %c0_i32_2 = arith.constant 0 : i32
    return %get3A_0, %c0_i32, %c0_i32_1 : i32, i32, i32
  }
  func.func @transform_4(%arg0: i32, %arg1: memref<192xi32, #tpu.memory_space<smem>>) -> (i32, i32) {
    %add3A = arith.constant 96 : i32
    %add3A_0 = arith.addi %add3A, %arg0 : i32
    %get3A = arith.index_cast %add3A_0 : i32 to index
    %get3A_1 = memref.load %arg1[%get3A] : memref<192xi32, #tpu.memory_space<smem>>
    %mul3A = arith.muli %get3A_1, %arg0 : i32
    %sub3A = arith.constant 1 : i32
    %sub3A_2 = arith.subi %sub3A, %get3A_1 : i32
    %mul3A_3 = arith.constant 95 : i32
    %mul3A_4 = arith.muli %sub3A_2, %mul3A_3 : i32
    %add3A_5 = arith.addi %mul3A, %mul3A_4 : i32
    %c0_i32 = arith.constant 0 : i32
    %c0_i32_6 = arith.constant 0 : i32
    return %add3A_5, %c0_i32 : i32, i32
  }
}

module attributes {stable_mosaic.version = 14 : i64} {
  func.func @_route_body(%arg0: memref<4096x768xf32, #tpu.memory_space<vmem>>, %arg1: memref<64x768xf32, #tpu.memory_space<vmem>>, %arg2: memref<4096xi32, #tpu.memory_space<vmem>>, %arg3: memref<192xi32, #tpu.memory_space<vmem>>, %arg4: memref<1x1xf32, #tpu.memory_space<vmem>>) attributes {dimension_semantics = [], scalar_prefetch = 0 : i64, scratch_operands = 0 : i64, tpu.core_type = #tpu.core_type<tc>} {
    %get3A = arith.constant 0 : index
    %get3A_0 = arith.constant 0 : index
    %get3A_1 = vector.load %arg0[%get3A, %get3A_0] : memref<4096x768xf32, #tpu.memory_space<vmem>>, vector<4096x768xf32>
    %get3A_2 = arith.constant 0 : index
    %get3A_3 = arith.constant 0 : index
    %get3A_4 = vector.load %arg1[%get3A_2, %get3A_3] : memref<64x768xf32, #tpu.memory_space<vmem>>, vector<64x768xf32>
    %dot_general3A = arith.constant dense<0.000000e+00> : vector<4096x64xf32>
    %dot_general3A_5 = tpu.matmul %get3A_1, %get3A_4, %dot_general3A {dimension_numbers = #tpu.dot_dimension_numbers<[1], [1], [0], [0], [0, 0, 1, 0], [], []>, transpose_lhs_hint = false} : vector<4096x768xf32>, vector<64x768xf32>, vector<4096x64xf32> -> vector<4096x64xf32>
    %reduce_max3A = arith.constant dense<0xFF800000> : vector<4096xf32>
    %reduce_max3A_6 = vector.multi_reduction <maximumf>, %dot_general3A_5, %reduce_max3A [1] : vector<4096x64xf32> to vector<4096xf32>
    %broadcast_in_dim3A = vector.shape_cast %reduce_max3A_6 : vector<4096xf32> to vector<4096x1xf32>
    %sub3A = vector.broadcast %broadcast_in_dim3A : vector<4096x1xf32> to vector<4096x64xf32>
    %sub3A_7 = arith.subf %dot_general3A_5, %sub3A : vector<4096x64xf32>
    %exp3A = math.exp %sub3A_7 : vector<4096x64xf32>
    %reduce_sum3A = arith.constant dense<0.000000e+00> : vector<4096xf32>
    %reduce_sum3A_8 = vector.multi_reduction <add>, %exp3A, %reduce_sum3A [1] : vector<4096x64xf32> to vector<4096xf32>
    %broadcast_in_dim3A_9 = vector.shape_cast %reduce_sum3A_8 : vector<4096xf32> to vector<4096x1xf32>
    %div3A = vector.broadcast %broadcast_in_dim3A_9 : vector<4096x1xf32> to vector<4096x64xf32>
    %div3A_10 = arith.divf %exp3A, %div3A : vector<4096x64xf32>
    %reduce_sum3A_11 = arith.constant dense<0.000000e+00> : vector<64xf32>
    %reduce_sum3A_12 = vector.multi_reduction <add>, %div3A_10, %reduce_sum3A_11 [0] : vector<4096x64xf32> to vector<64xf32>
    %broadcast_in_dim3A_13 = vector.shape_cast %reduce_sum3A_12 : vector<64xf32> to vector<1x64xf32>
    %div3A_14 = arith.constant 4.096000e+03 : f32
    %div3A_15 = vector.broadcast %div3A_14 : f32 to vector<1x64xf32>
    %div3A_16 = arith.divf %broadcast_in_dim3A_13, %div3A_15 : vector<1x64xf32>
    %mul3A = arith.mulf %div3A_16, %div3A_16 : vector<1x64xf32>
    %reduce_sum3A_17 = arith.constant dense<0.000000e+00> : vector<1xf32>
    %reduce_sum3A_18 = vector.multi_reduction <add>, %mul3A, %reduce_sum3A_17 [1] : vector<1x64xf32> to vector<1xf32>
    %broadcast_in_dim3A_19 = vector.shape_cast %reduce_sum3A_18 : vector<1xf32> to vector<1x1xf32>
    %mul3A_20 = arith.constant 6.400000e+01 : f32
    %mul3A_21 = vector.broadcast %mul3A_20 : f32 to vector<1x1xf32>
    %mul3A_22 = arith.mulf %mul3A_21, %broadcast_in_dim3A_19 : vector<1x1xf32>
    %mul3A_23 = arith.constant 0.00999999977 : f32
    %mul3A_24 = vector.broadcast %mul3A_23 : f32 to vector<1x1xf32>
    %mul3A_25 = arith.mulf %mul3A_22, %mul3A_24 : vector<1x1xf32>
    %swap3A = arith.constant 0 : index
    %swap3A_26 = arith.constant 0 : index
    %swap3A_27 = vector.load %arg4[%swap3A, %swap3A_26] : memref<1x1xf32, #tpu.memory_space<vmem>>, vector<1x1xf32>
    tpu.vector_store %arg4[%swap3A, %swap3A_26], %mul3A_25 {strides = array<i32>} : memref<1x1xf32, #tpu.memory_space<vmem>>, vector<1x1xf32>,
    %iota3A = tpu.iota {dimensions = array<i32: 1>} : vector<4096x64xi32>
    %reduce_max3A_28 = arith.constant dense<0xFF800000> : vector<4096xf32>
    %reduce_max3A_29 = vector.multi_reduction <maximumf>, %div3A_10, %reduce_max3A_28 [1] : vector<4096x64xf32> to vector<4096xf32>
    %broadcast_in_dim3A_30 = vector.shape_cast %reduce_max3A_29 : vector<4096xf32> to vector<4096x1xf32>
    %eq3A = vector.broadcast %broadcast_in_dim3A_30 : vector<4096x1xf32> to vector<4096x64xf32>
    %eq3A_31 = arith.cmpf oeq, %div3A_10, %eq3A : vector<4096x64xf32>
    %jit3A = arith.constant 64 : i32
    %broadcast_in_dim3A_32 = vector.broadcast %jit3A : i32 to vector<4096x64xi32>
    %select_n3A = arith.select %eq3A_31, %iota3A, %broadcast_in_dim3A_32 : vector<4096x64xi1>, vector<4096x64xi32>
    %reduce_min3A = arith.constant dense<2147483647> : vector<4096xi32>
    %reduce_min3A_33 = vector.multi_reduction <minsi>, %select_n3A, %reduce_min3A [1] : vector<4096x64xi32> to vector<4096xi32>
    %broadcast_in_dim3A_34 = vector.shape_cast %reduce_min3A_33 : vector<4096xi32> to vector<4096x1xi32>
    %eq3A_35 = vector.broadcast %broadcast_in_dim3A_34 : vector<4096x1xi32> to vector<4096x64xi32>
    %eq3A_36 = arith.cmpi eq, %iota3A, %eq3A_35 : vector<4096x64xi32>
    %convert_element_type3A = arith.extui %eq3A_36 : vector<4096x64xi1> to vector<4096x64xi32>
    %convert_element_type3A_37 = arith.sitofp %convert_element_type3A : vector<4096x64xi32> to vector<4096x64xf32>
    %iota3A_38 = tpu.iota {dimensions = array<i32: 0>} : vector<512x512xi32>
    %iota3A_39 = tpu.iota {dimensions = array<i32: 1>} : vector<512x512xi32>
    %ge3A = arith.cmpi sge, %iota3A_38, %iota3A_39 : vector<512x512xi32>
    %convert_element_type3A_40 = arith.extui %ge3A : vector<512x512xi1> to vector<512x512xi32>
    %convert_element_type3A_41 = arith.sitofp %convert_element_type3A_40 : vector<512x512xi32> to vector<512x512xf32>
    %broadcast_in_dim3A_42 = arith.constant 0.000000e+00 : f32
    %broadcast_in_dim3A_43 = vector.broadcast %broadcast_in_dim3A_42 : f32 to vector<1x64xf32>
    %slice3A = vector.extract_strided_slice %convert_element_type3A_37 {offsets = [0, 0], sizes = [512, 64], strides = [1, 1]} : vector<4096x64xf32> to vector<512x64xf32>
    %dot_general3A_44 = arith.constant dense<0.000000e+00> : vector<512x64xf32>
    %dot_general3A_45 = tpu.matmul %convert_element_type3A_41, %slice3A, %dot_general3A_44 {dimension_numbers = #tpu.dot_dimension_numbers<[1], [0], [0], [1], [0, 0, 1, 1], [], []>, transpose_lhs_hint = false} : vector<512x512xf32>, vector<512x64xf32>, vector<512x64xf32> -> vector<512x64xf32>
    %add3A = vector.broadcast %broadcast_in_dim3A_43 : vector<1x64xf32> to vector<512x64xf32>
    %add3A_46 = arith.addf %dot_general3A_45, %add3A : vector<512x64xf32>
    %mul3A_47 = arith.mulf %add3A_46, %slice3A : vector<512x64xf32>
    %reduce_sum3A_48 = arith.constant dense<0.000000e+00> : vector<512xf32>
    %reduce_sum3A_49 = vector.multi_reduction <add>, %mul3A_47, %reduce_sum3A_48 [1] : vector<512x64xf32> to vector<512xf32>
    %sub3A_50 = arith.constant 1.000000e+00 : f32
    %sub3A_51 = vector.broadcast %sub3A_50 : f32 to vector<512xf32>
    %sub3A_52 = arith.subf %reduce_sum3A_49, %sub3A_51 : vector<512xf32>
    %reduce_sum3A_53 = arith.constant dense<0.000000e+00> : vector<64xf32>
    %reduce_sum3A_54 = vector.multi_reduction <add>, %slice3A, %reduce_sum3A_53 [0] : vector<512x64xf32> to vector<64xf32>
    %broadcast_in_dim3A_55 = vector.shape_cast %reduce_sum3A_54 : vector<64xf32> to vector<1x64xf32>
    %add3A_56 = arith.addf %broadcast_in_dim3A_43, %broadcast_in_dim3A_55 : vector<1x64xf32>
    %slice3A_57 = vector.extract_strided_slice %convert_element_type3A_37 {offsets = [512, 0], sizes = [512, 64], strides = [1, 1]} : vector<4096x64xf32> to vector<512x64xf32>
    %dot_general3A_58 = arith.constant dense<0.000000e+00> : vector<512x64xf32>
    %dot_general3A_59 = tpu.matmul %convert_element_type3A_41, %slice3A_57, %dot_general3A_58 {dimension_numbers = #tpu.dot_dimension_numbers<[1], [0], [0], [1], [0, 0, 1, 1], [], []>, transpose_lhs_hint = false} : vector<512x512xf32>, vector<512x64xf32>, vector<512x64xf32> -> vector<512x64xf32>
    %add3A_60 = vector.broadcast %add3A_56 : vector<1x64xf32> to vector<512x64xf32>
    %add3A_61 = arith.addf %dot_general3A_59, %add3A_60 : vector<512x64xf32>
    %mul3A_62 = arith.mulf %add3A_61, %slice3A_57 : vector<512x64xf32>
    %reduce_sum3A_63 = arith.constant dense<0.000000e+00> : vector<512xf32>
    %reduce_sum3A_64 = vector.multi_reduction <add>, %mul3A_62, %reduce_sum3A_63 [1] : vector<512x64xf32> to vector<512xf32>
    %sub3A_65 = arith.constant 1.000000e+00 : f32
    %sub3A_66 = vector.broadcast %sub3A_65 : f32 to vector<512xf32>
    %sub3A_67 = arith.subf %reduce_sum3A_64, %sub3A_66 : vector<512xf32>
    %reduce_sum3A_68 = arith.constant dense<0.000000e+00> : vector<64xf32>
    %reduce_sum3A_69 = vector.multi_reduction <add>, %slice3A_57, %reduce_sum3A_68 [0] : vector<512x64xf32> to vector<64xf32>
    %broadcast_in_dim3A_70 = vector.shape_cast %reduce_sum3A_69 : vector<64xf32> to vector<1x64xf32>
    %add3A_71 = arith.addf %add3A_56, %broadcast_in_dim3A_70 : vector<1x64xf32>
    %slice3A_72 = vector.extract_strided_slice %convert_element_type3A_37 {offsets = [1024, 0], sizes = [512, 64], strides = [1, 1]} : vector<4096x64xf32> to vector<512x64xf32>
    %dot_general3A_73 = arith.constant dense<0.000000e+00> : vector<512x64xf32>
    %dot_general3A_74 = tpu.matmul %convert_element_type3A_41, %slice3A_72, %dot_general3A_73 {dimension_numbers = #tpu.dot_dimension_numbers<[1], [0], [0], [1], [0, 0, 1, 1], [], []>, transpose_lhs_hint = false} : vector<512x512xf32>, vector<512x64xf32>, vector<512x64xf32> -> vector<512x64xf32>
    %add3A_75 = vector.broadcast %add3A_71 : vector<1x64xf32> to vector<512x64xf32>
    %add3A_76 = arith.addf %dot_general3A_74, %add3A_75 : vector<512x64xf32>
    %mul3A_77 = arith.mulf %add3A_76, %slice3A_72 : vector<512x64xf32>
    %reduce_sum3A_78 = arith.constant dense<0.000000e+00> : vector<512xf32>
    %reduce_sum3A_79 = vector.multi_reduction <add>, %mul3A_77, %reduce_sum3A_78 [1] : vector<512x64xf32> to vector<512xf32>
    %sub3A_80 = arith.constant 1.000000e+00 : f32
    %sub3A_81 = vector.broadcast %sub3A_80 : f32 to vector<512xf32>
    %sub3A_82 = arith.subf %reduce_sum3A_79, %sub3A_81 : vector<512xf32>
    %reduce_sum3A_83 = arith.constant dense<0.000000e+00> : vector<64xf32>
    %reduce_sum3A_84 = vector.multi_reduction <add>, %slice3A_72, %reduce_sum3A_83 [0] : vector<512x64xf32> to vector<64xf32>
    %broadcast_in_dim3A_85 = vector.shape_cast %reduce_sum3A_84 : vector<64xf32> to vector<1x64xf32>
    %add3A_86 = arith.addf %add3A_71, %broadcast_in_dim3A_85 : vector<1x64xf32>
    %slice3A_87 = vector.extract_strided_slice %convert_element_type3A_37 {offsets = [1536, 0], sizes = [512, 64], strides = [1, 1]} : vector<4096x64xf32> to vector<512x64xf32>
    %dot_general3A_88 = arith.constant dense<0.000000e+00> : vector<512x64xf32>
    %dot_general3A_89 = tpu.matmul %convert_element_type3A_41, %slice3A_87, %dot_general3A_88 {dimension_numbers = #tpu.dot_dimension_numbers<[1], [0], [0], [1], [0, 0, 1, 1], [], []>, transpose_lhs_hint = false} : vector<512x512xf32>, vector<512x64xf32>, vector<512x64xf32> -> vector<512x64xf32>
    %add3A_90 = vector.broadcast %add3A_86 : vector<1x64xf32> to vector<512x64xf32>
    %add3A_91 = arith.addf %dot_general3A_89, %add3A_90 : vector<512x64xf32>
    %mul3A_92 = arith.mulf %add3A_91, %slice3A_87 : vector<512x64xf32>
    %reduce_sum3A_93 = arith.constant dense<0.000000e+00> : vector<512xf32>
    %reduce_sum3A_94 = vector.multi_reduction <add>, %mul3A_92, %reduce_sum3A_93 [1] : vector<512x64xf32> to vector<512xf32>
    %sub3A_95 = arith.constant 1.000000e+00 : f32
    %sub3A_96 = vector.broadcast %sub3A_95 : f32 to vector<512xf32>
    %sub3A_97 = arith.subf %reduce_sum3A_94, %sub3A_96 : vector<512xf32>
    %reduce_sum3A_98 = arith.constant dense<0.000000e+00> : vector<64xf32>
    %reduce_sum3A_99 = vector.multi_reduction <add>, %slice3A_87, %reduce_sum3A_98 [0] : vector<512x64xf32> to vector<64xf32>
    %broadcast_in_dim3A_100 = vector.shape_cast %reduce_sum3A_99 : vector<64xf32> to vector<1x64xf32>
    %add3A_101 = arith.addf %add3A_86, %broadcast_in_dim3A_100 : vector<1x64xf32>
    %slice3A_102 = vector.extract_strided_slice %convert_element_type3A_37 {offsets = [2048, 0], sizes = [512, 64], strides = [1, 1]} : vector<4096x64xf32> to vector<512x64xf32>
    %dot_general3A_103 = arith.constant dense<0.000000e+00> : vector<512x64xf32>
    %dot_general3A_104 = tpu.matmul %convert_element_type3A_41, %slice3A_102, %dot_general3A_103 {dimension_numbers = #tpu.dot_dimension_numbers<[1], [0], [0], [1], [0, 0, 1, 1], [], []>, transpose_lhs_hint = false} : vector<512x512xf32>, vector<512x64xf32>, vector<512x64xf32> -> vector<512x64xf32>
    %add3A_105 = vector.broadcast %add3A_101 : vector<1x64xf32> to vector<512x64xf32>
    %add3A_106 = arith.addf %dot_general3A_104, %add3A_105 : vector<512x64xf32>
    %mul3A_107 = arith.mulf %add3A_106, %slice3A_102 : vector<512x64xf32>
    %reduce_sum3A_108 = arith.constant dense<0.000000e+00> : vector<512xf32>
    %reduce_sum3A_109 = vector.multi_reduction <add>, %mul3A_107, %reduce_sum3A_108 [1] : vector<512x64xf32> to vector<512xf32>
    %sub3A_110 = arith.constant 1.000000e+00 : f32
    %sub3A_111 = vector.broadcast %sub3A_110 : f32 to vector<512xf32>
    %sub3A_112 = arith.subf %reduce_sum3A_109, %sub3A_111 : vector<512xf32>
    %reduce_sum3A_113 = arith.constant dense<0.000000e+00> : vector<64xf32>
    %reduce_sum3A_114 = vector.multi_reduction <add>, %slice3A_102, %reduce_sum3A_113 [0] : vector<512x64xf32> to vector<64xf32>
    %broadcast_in_dim3A_115 = vector.shape_cast %reduce_sum3A_114 : vector<64xf32> to vector<1x64xf32>
    %add3A_116 = arith.addf %add3A_101, %broadcast_in_dim3A_115 : vector<1x64xf32>
    %slice3A_117 = vector.extract_strided_slice %convert_element_type3A_37 {offsets = [2560, 0], sizes = [512, 64], strides = [1, 1]} : vector<4096x64xf32> to vector<512x64xf32>
    %dot_general3A_118 = arith.constant dense<0.000000e+00> : vector<512x64xf32>
    %dot_general3A_119 = tpu.matmul %convert_element_type3A_41, %slice3A_117, %dot_general3A_118 {dimension_numbers = #tpu.dot_dimension_numbers<[1], [0], [0], [1], [0, 0, 1, 1], [], []>, transpose_lhs_hint = false} : vector<512x512xf32>, vector<512x64xf32>, vector<512x64xf32> -> vector<512x64xf32>
    %add3A_120 = vector.broadcast %add3A_116 : vector<1x64xf32> to vector<512x64xf32>
    %add3A_121 = arith.addf %dot_general3A_119, %add3A_120 : vector<512x64xf32>
    %mul3A_122 = arith.mulf %add3A_121, %slice3A_117 : vector<512x64xf32>
    %reduce_sum3A_123 = arith.constant dense<0.000000e+00> : vector<512xf32>
    %reduce_sum3A_124 = vector.multi_reduction <add>, %mul3A_122, %reduce_sum3A_123 [1] : vector<512x64xf32> to vector<512xf32>
    %sub3A_125 = arith.constant 1.000000e+00 : f32
    %sub3A_126 = vector.broadcast %sub3A_125 : f32 to vector<512xf32>
    %sub3A_127 = arith.subf %reduce_sum3A_124, %sub3A_126 : vector<512xf32>
    %reduce_sum3A_128 = arith.constant dense<0.000000e+00> : vector<64xf32>
    %reduce_sum3A_129 = vector.multi_reduction <add>, %slice3A_117, %reduce_sum3A_128 [0] : vector<512x64xf32> to vector<64xf32>
    %broadcast_in_dim3A_130 = vector.shape_cast %reduce_sum3A_129 : vector<64xf32> to vector<1x64xf32>
    %add3A_131 = arith.addf %add3A_116, %broadcast_in_dim3A_130 : vector<1x64xf32>
    %slice3A_132 = vector.extract_strided_slice %convert_element_type3A_37 {offsets = [3072, 0], sizes = [512, 64], strides = [1, 1]} : vector<4096x64xf32> to vector<512x64xf32>
    %dot_general3A_133 = arith.constant dense<0.000000e+00> : vector<512x64xf32>
    %dot_general3A_134 = tpu.matmul %convert_element_type3A_41, %slice3A_132, %dot_general3A_133 {dimension_numbers = #tpu.dot_dimension_numbers<[1], [0], [0], [1], [0, 0, 1, 1], [], []>, transpose_lhs_hint = false} : vector<512x512xf32>, vector<512x64xf32>, vector<512x64xf32> -> vector<512x64xf32>
    %add3A_135 = vector.broadcast %add3A_131 : vector<1x64xf32> to vector<512x64xf32>
    %add3A_136 = arith.addf %dot_general3A_134, %add3A_135 : vector<512x64xf32>
    %mul3A_137 = arith.mulf %add3A_136, %slice3A_132 : vector<512x64xf32>
    %reduce_sum3A_138 = arith.constant dense<0.000000e+00> : vector<512xf32>
    %reduce_sum3A_139 = vector.multi_reduction <add>, %mul3A_137, %reduce_sum3A_138 [1] : vector<512x64xf32> to vector<512xf32>
    %sub3A_140 = arith.constant 1.000000e+00 : f32
    %sub3A_141 = vector.broadcast %sub3A_140 : f32 to vector<512xf32>
    %sub3A_142 = arith.subf %reduce_sum3A_139, %sub3A_141 : vector<512xf32>
    %reduce_sum3A_143 = arith.constant dense<0.000000e+00> : vector<64xf32>
    %reduce_sum3A_144 = vector.multi_reduction <add>, %slice3A_132, %reduce_sum3A_143 [0] : vector<512x64xf32> to vector<64xf32>
    %broadcast_in_dim3A_145 = vector.shape_cast %reduce_sum3A_144 : vector<64xf32> to vector<1x64xf32>
    %add3A_146 = arith.addf %add3A_131, %broadcast_in_dim3A_145 : vector<1x64xf32>
    %slice3A_147 = vector.extract_strided_slice %convert_element_type3A_37 {offsets = [3584, 0], sizes = [512, 64], strides = [1, 1]} : vector<4096x64xf32> to vector<512x64xf32>
    %dot_general3A_148 = arith.constant dense<0.000000e+00> : vector<512x64xf32>
    %dot_general3A_149 = tpu.matmul %convert_element_type3A_41, %slice3A_147, %dot_general3A_148 {dimension_numbers = #tpu.dot_dimension_numbers<[1], [0], [0], [1], [0, 0, 1, 1], [], []>, transpose_lhs_hint = false} : vector<512x512xf32>, vector<512x64xf32>, vector<512x64xf32> -> vector<512x64xf32>
    %add3A_150 = vector.broadcast %add3A_146 : vector<1x64xf32> to vector<512x64xf32>
    %add3A_151 = arith.addf %dot_general3A_149, %add3A_150 : vector<512x64xf32>
    %mul3A_152 = arith.mulf %add3A_151, %slice3A_147 : vector<512x64xf32>
    %reduce_sum3A_153 = arith.constant dense<0.000000e+00> : vector<512xf32>
    %reduce_sum3A_154 = vector.multi_reduction <add>, %mul3A_152, %reduce_sum3A_153 [1] : vector<512x64xf32> to vector<512xf32>
    %sub3A_155 = arith.constant 1.000000e+00 : f32
    %sub3A_156 = vector.broadcast %sub3A_155 : f32 to vector<512xf32>
    %sub3A_157 = arith.subf %reduce_sum3A_154, %sub3A_156 : vector<512xf32>
    %reduce_sum3A_158 = arith.constant dense<0.000000e+00> : vector<64xf32>
    %reduce_sum3A_159 = vector.multi_reduction <add>, %slice3A_147, %reduce_sum3A_158 [0] : vector<512x64xf32> to vector<64xf32>
    %broadcast_in_dim3A_160 = vector.shape_cast %reduce_sum3A_159 : vector<64xf32> to vector<1x64xf32>
    %add3A_161 = arith.addf %add3A_146, %broadcast_in_dim3A_160 : vector<1x64xf32>
    %concatenate3A = tpu.concatenate %sub3A_52, %sub3A_67, %sub3A_82, %sub3A_97, %sub3A_112, %sub3A_127, %sub3A_142, %sub3A_157 in 0 : vector<512xf32>, vector<512xf32>, vector<512xf32>, vector<512xf32>, vector<512xf32>, vector<512xf32>, vector<512xf32>, vector<512xf32> -> vector<4096xf32>
    %convert_element_type3A_162 = arith.fptosi %add3A_161 : vector<1x64xf32> to vector<1x64xi32>
    %add3A_163 = arith.constant 128 : i32
    %add3A_164 = vector.broadcast %add3A_163 : i32 to vector<1x64xi32>
    %add3A_165 = arith.addi %convert_element_type3A_162, %add3A_164 : vector<1x64xi32>
    %sub3A_166 = arith.constant 1 : i32
    %sub3A_167 = vector.broadcast %sub3A_166 : i32 to vector<1x64xi32>
    %sub3A_168 = arith.subi %add3A_165, %sub3A_167 : vector<1x64xi32>
    %jit3A_169 = arith.constant 128 : i32
    %div3A_170 = vector.broadcast %jit3A_169 : i32 to vector<1x64xi32>
    %div3A_171 = arith.divsi %sub3A_168, %div3A_170 : vector<1x64xi32>
    %sign3A = arith.constant 0 : i32
    %sign3A_172 = vector.broadcast %sign3A : i32 to vector<1x64xi32>
    %sign3A_173 = arith.cmpi sgt, %sub3A_168, %sign3A_172 : vector<1x64xi32>
    %sign3A_174 = arith.extui %sign3A_173 : vector<1x64xi1> to vector<1x64xi32>
    %sign3A_175 = arith.constant 0 : i32
    %sign3A_176 = vector.broadcast %sign3A_175 : i32 to vector<1x64xi32>
    %sign3A_177 = arith.cmpi slt, %sub3A_168, %sign3A_176 : vector<1x64xi32>
    %sign3A_178 = arith.extui %sign3A_177 : vector<1x64xi1> to vector<1x64xi32>
    %sign3A_179 = arith.subi %sign3A_174, %sign3A_178 : vector<1x64xi32>
    %sign3A_180 = arith.constant 0 : i32
    %sign3A_181 = arith.cmpi sgt, %jit3A_169, %sign3A_180 : i32
    %sign3A_182 = arith.extui %sign3A_181 : i1 to i32
    %sign3A_183 = arith.constant 0 : i32
    %sign3A_184 = arith.cmpi slt, %jit3A_169, %sign3A_183 : i32
    %sign3A_185 = arith.extui %sign3A_184 : i1 to i32
    %sign3A_186 = arith.subi %sign3A_182, %sign3A_185 : i32
    %ne3A = vector.broadcast %sign3A_186 : i32 to vector<1x64xi32>
    %ne3A_187 = arith.cmpi ne, %sign3A_179, %ne3A : vector<1x64xi32>
    %rem3A = vector.broadcast %jit3A_169 : i32 to vector<1x64xi32>
    %rem3A_188 = arith.remsi %sub3A_168, %rem3A : vector<1x64xi32>
    %ne3A_189 = arith.constant 0 : i32
    %ne3A_190 = vector.broadcast %ne3A_189 : i32 to vector<1x64xi32>
    %ne3A_191 = arith.cmpi ne, %rem3A_188, %ne3A_190 : vector<1x64xi32>
    %and3A = arith.andi %ne3A_187, %ne3A_191 : vector<1x64xi1>
    %sub3A_192 = arith.constant 1 : i32
    %sub3A_193 = vector.broadcast %sub3A_192 : i32 to vector<1x64xi32>
    %sub3A_194 = arith.subi %div3A_171, %sub3A_193 : vector<1x64xi32>
    %select_n3A_195 = arith.select %and3A, %sub3A_194, %div3A_171 : vector<1x64xi1>, vector<1x64xi32>
    %mul3A_196 = arith.constant 128 : i32
    %mul3A_197 = vector.broadcast %mul3A_196 : i32 to vector<1x64xi32>
    %mul3A_198 = arith.muli %select_n3A_195, %mul3A_197 : vector<1x64xi32>
    %convert_element_type3A_199 = arith.sitofp %mul3A_198 : vector<1x64xi32> to vector<1x64xf32>
    %iota3A_200 = tpu.iota {dimensions = array<i32: 0>} : vector<64x64xi32>
    %iota3A_201 = tpu.iota {dimensions = array<i32: 1>} : vector<64x64xi32>
    %lt3A = arith.cmpi slt, %iota3A_200, %iota3A_201 : vector<64x64xi32>
    %convert_element_type3A_202 = arith.extui %lt3A : vector<64x64xi1> to vector<64x64xi32>
    %convert_element_type3A_203 = arith.sitofp %convert_element_type3A_202 : vector<64x64xi32> to vector<64x64xf32>
    %dot_general3A_204 = arith.constant dense<0.000000e+00> : vector<1x64xf32>
    %dot_general3A_205 = tpu.matmul %convert_element_type3A_199, %convert_element_type3A_203, %dot_general3A_204 {dimension_numbers = #tpu.dot_dimension_numbers<[1], [0], [0], [1], [0, 0, 1, 1], [], []>, transpose_lhs_hint = false} : vector<1x64xf32>, vector<64x64xf32>, vector<1x64xf32> -> vector<1x64xf32>
    %mul3A_206 = vector.broadcast %dot_general3A_205 : vector<1x64xf32> to vector<4096x64xf32>
    %mul3A_207 = arith.mulf %convert_element_type3A_37, %mul3A_206 : vector<4096x64xf32>
    %reduce_sum3A_208 = arith.constant dense<0.000000e+00> : vector<4096xf32>
    %reduce_sum3A_209 = vector.multi_reduction <add>, %mul3A_207, %reduce_sum3A_208 [1] : vector<4096x64xf32> to vector<4096xf32>
    %add3A_210 = arith.addf %reduce_sum3A_209, %concatenate3A : vector<4096xf32>
    %convert_element_type3A_211 = arith.fptosi %add3A_210 : vector<4096xf32> to vector<4096xi32>
    %swap3A_212 = arith.constant 0 : index
    %swap3A_213 = vector.load %arg2[%swap3A_212] : memref<4096xi32, #tpu.memory_space<vmem>>, vector<4096xi32>
    tpu.vector_store %arg2[%swap3A_212], %convert_element_type3A_211 {strides = array<i32>} : memref<4096xi32, #tpu.memory_space<vmem>>, vector<4096xi32>,
    %add3A_214 = arith.addf %dot_general3A_205, %convert_element_type3A_199 : vector<1x64xf32>
    %iota3A_215 = tpu.iota {dimensions = array<i32: 0>} : vector<96x64xi32>
    %convert_element_type3A_216 = arith.sitofp %iota3A_215 : vector<96x64xi32> to vector<96x64xf32>
    %mul3A_217 = arith.constant 1.280000e+02 : f32
    %mul3A_218 = vector.broadcast %mul3A_217 : f32 to vector<96x64xf32>
    %mul3A_219 = arith.mulf %convert_element_type3A_216, %mul3A_218 : vector<96x64xf32>
    %ge3A_220 = vector.broadcast %add3A_214 : vector<1x64xf32> to vector<96x64xf32>
    %ge3A_221 = arith.cmpf oge, %mul3A_219, %ge3A_220 : vector<96x64xf32>
    %convert_element_type3A_222 = arith.extui %ge3A_221 : vector<96x64xi1> to vector<96x64xi32>
    %convert_element_type3A_223 = arith.sitofp %convert_element_type3A_222 : vector<96x64xi32> to vector<96x64xf32>
    %reduce_sum3A_224 = arith.constant dense<0.000000e+00> : vector<96xf32>
    %reduce_sum3A_225 = vector.multi_reduction <add>, %convert_element_type3A_223, %reduce_sum3A_224 [1] : vector<96x64xf32> to vector<96xf32>
    %reduce_sum3A_226 = arith.constant dense<0.000000e+00> : vector<1xf32>
    %reduce_sum3A_227 = vector.multi_reduction <add>, %convert_element_type3A_199, %reduce_sum3A_226 [1] : vector<1x64xf32> to vector<1xf32>
    %slice3A_228 = vector.extract_strided_slice %mul3A_219 {offsets = [0, 0], sizes = [96, 1], strides = [1, 1]} : vector<96x64xf32> to vector<96x1xf32>
    %squeeze3A = vector.shape_cast %slice3A_228 : vector<96x1xf32> to vector<96xf32>
    %lt3A_229 = vector.broadcast %reduce_sum3A_227 : vector<1xf32> to vector<96xf32>
    %lt3A_230 = arith.cmpf olt, %squeeze3A, %lt3A_229 : vector<96xf32>
    %convert_element_type3A_231 = arith.extui %lt3A_230 : vector<96xi1> to vector<96xi32>
    %min3A = arith.constant 6.300000e+01 : f32
    %min3A_232 = vector.broadcast %min3A : f32 to vector<96xf32>
    %min3A_233 = arith.minimumf %reduce_sum3A_225, %min3A_232 : vector<96xf32>
    %convert_element_type3A_234 = arith.fptosi %min3A_233 : vector<96xf32> to vector<96xi32>
    %concatenate3A_235 = tpu.concatenate %convert_element_type3A_234, %convert_element_type3A_231 in 0 : vector<96xi32>, vector<96xi32> -> vector<192xi32>
    %swap3A_236 = arith.constant 0 : index
    %swap3A_237 = vector.load %arg3[%swap3A_236] : memref<192xi32, #tpu.memory_space<vmem>>, vector<192xi32>
    tpu.vector_store %arg3[%swap3A_236], %concatenate3A_235 {strides = array<i32>} : memref<192xi32, #tpu.memory_space<vmem>>, vector<192xi32>,
    return
  }
}

</mosaic_0001>

<sc_bundles>
// kernel: kernel.6.cloned.1.call-start
scs
__scs_entry_jumppad:
0x0: {  	(pc) =	sbr.rel $0x88, $3  }
0x1: {  	(tag) =	ssettag $0x0;
	lr =	simm.s32 $0x1  }
0x2: {  	[smem:$0x3F9C] =	sst lr;
	_ =	strace $0xD0000000  }
0x3: {  	_ = 	snop  }
0x4: {  	_ = 	snop  }
0x5: {  	_ = 	snop  }
0x6: {  	_ = 	snop  }
0x7: {  	_ = 	snop  }
__scs_overlays_trampoline_lowered:
0x8: {  	[smem:$0x3FAB] =	sst s0  }
0x9: {  	[smem:$0x3FAC] =	sst s1  }
0xa: {  	[smem:$0x3FAD] =	sst s2  }
0xb: {  	[smem:$0x3FAE] =	sst s3  }
0xc: {  	[smem:$0x3FAF] =	sst s4  }
0xd: {  	[smem:$0x3FB0] =	sst s5  }
0xe: {  	[smem:$0x3FB1] =	sst s6  }
0xf: {  	[smem:$0x3FB2] =	sst s7  }
0x10: {  	[smem:$0x3FB3] =	sst s8  }
0x11: {  	[smem:$0x3FB4] =	sst s9;
	s0 =	simm.s32 @!p0 $0x0  }
0x12: {  	s1 =	sld [smem:$0x3F9A];
	s0 =	simm.s32 @p0 $0x1  }
0x13: {  	[smem:$0x3FB5] =	sst s0;
	s0 =	simm.s32 @!p1 $0x0  }
0x14: {  	s2 =	sld [smem:$0x3F99];
	s0 =	simm.s32 @p1 $0x1  }
0x15: {  	[smem:$0x3FB6] =	sst s0;
	s0 =	simm.s32 @!p2 $0x0  }
0x16: {  	s3 =	sld [smem:$0x3FDB];
	s0 =	simm.s32 @p2 $0x1  }
0x17: {  	s4 =	simm.s32 $0x1BF5;
	[smem:$0x3FB8] =	sst s0  }
0x18: {  	s0 =	sld [smem:$0x3F9B];
	_ =	swait.ge [sflag:s4], $0x0  }
0x19: {  	s7 =	sld [smem:$0x3F9C]  }
0x1a: {  	s8 =	sadd.s32 $0xFFFFE003, lr  }
0x1b: {  	s9 =	sadd.s32 $0xFFFFFEF7, lr;
	s5 =	simm.s32 $0xFFFFFFFF;
	p2 =	slt.u32 s8, $0xFFFFF086  }
0x1c: {  	p1 =	slt.u32 s9, $0xF7A;
	s5 =	simm.s32 @!p2 $0x0  }
0x1d: {  	s5 =	simm.s32 @p1 $0x1;
	p0 =	seq.s32 s7, s2  }
0x1e: {  	s7 =	smul.u32 @!p0 $0xF7A, s2;
	p2 =	seq.s32 @!p0 s5, $0x0  }
0x1f: {  	s9 =	smul.u32 $0xF7A, s1;
	s8 =	simm.s32 @!p0 $0x1BF5;
	p2 =	por !p2, p0  }
0x20: {  	[sflag:s8] =	ssyncset.s32 @!p0 $0xFFFFF086;
	s6 =	sadd.s32 @!p0 s3, s7;
	s7 =	simm.s32 @!p0 $0x108  }
0x21: {  	s3 =	sadd.s32 s3, s9;
	s6 =	sadd.s32 @!p0 $0x88, s6;
	s7 =	simm.s32 @p2 $0x1082  }
0x22: {  	[simem:s7], [sflag:s8] =	dma.local @!p0 [hbm:s6], $0xF7A  }
0x23: {  	s9 =	sor.u32 $0xD0000000, s2;
	s6 =	simm.s32 $0x108;
	_ =	swait.ge @!p0 [sflag:s8], $0x0  }
0x24: {  	s3 =	sadd.s32 $0x88, s3;
	s6 =	simm.s32 @!p1 $0x1082;
	[sflag:s4] =	ssyncset.s32 $0xFFFFF086  }
0x25: {  	[simem:s6], [sflag:s4] =	dma.local [hbm:s3], $0xF7A  }
0x26: {  	[smem:$0x3F9C] =	sst s1;
	(tag) =	ssettag s2;
	_ =	strace s9  }
0x27: {  	s1 =	sld [smem:$0x3FAC]  }
0x28: {  	s2 =	sld [smem:$0x3FAD]  }
0x29: {  	s4 =	sld [smem:$0x3FAF]  }
0x2a: {  	p0 =	seq.s32 s5, $0x0;
	s5 =	sld [smem:$0x3FB0]  }
0x2b: {  	s6 =	sld [smem:$0x3FB1]  }
0x2c: {  	s7 =	sld [smem:$0x3FB2]  }
0x2d: {  	s3 =	simm.s32 $0x108;
	s8 =	sld [smem:$0x3FB3]  }
0x2e: {  	s3 =	simm.s32 @!p0 $0x1082;
	s9 =	sld [smem:$0x3FB4]  }
0x2f: {  	lr =	sadd.s32 s0, s3;
	s0 =	sld [smem:$0x3FAB]  }
0x30: {  	s3 =	sld [smem:$0x3FAE]  }
0x31: {  	[smem:$0x3FB7] =	sst s10  }
0x32: {  	s10 =	sld [smem:$0x3FB5];
	_ =	sdelay $0x3  }
0x33: {  	p0 =	seq.s32 s10, $0x1;
	s10 =	sld [smem:$0x3FB7];
	_ =	sdelay $0x3  }
0x34: {  	[smem:$0x3FB7] =	sst s10  }
0x35: {  	s10 =	sld [smem:$0x3FB6];
	_ =	sdelay $0x3  }
0x36: {  	p1 =	seq.s32 s10, $0x1;
	s10 =	sld [smem:$0x3FB7];
	_ =	sdelay $0x3  }
0x37: {  	[smem:$0x3FB7] =	sst s10  }
0x38: {  	s10 =	sld [smem:$0x3FB8]  }
0x39: {  	_ = 	snop;
	(pc) =	sbr.ind lr, $3  }
0x3a: {  	_ = 	snop  }
0x3b: {  	_ = 	snop  }
0x3c: {  	p2 =	seq.s32 s10, $0x1;
	s10 =	sld [smem:$0x3FB7]  }
0x3d: {  	_ =	shalt  }
0x3e: {  	_ =	shalt  }
0x3f: {  	_ =	shalt  }
0x40: {  	_ =	shalt  }
0x41: {  	_ =	shalt  }
0x42: {  	_ =	shalt  }
0x43: {  	_ =	shalt  }
0x44: {  	_ =	shalt  }
0x45: {  	_ =	shalt  }
0x46: {  	_ =	shalt  }
0x47: {  	_ =	shalt  }
0x48: {  	_ =	shalt  }
0x49: {  	_ =	shalt  }
0x4a: {  	_ =	shalt  }
0x4b: {  	_ =	shalt  }
0x4c: {  	_ =	shalt  }
0x4d: {  	_ =	shalt  }
0x4e: {  	_ =	shalt  }
0x4f: {  	_ =	shalt  }
0x50: {  	_ =	shalt  }
0x51: {  	_ =	shalt  }
0x52: {  	_ =	shalt  }
0x53: {  	_ =	shalt  }
0x54: {  	_ =	shalt  }
0x55: {  	_ =	shalt  }
0x56: {  	_ =	shalt  }
0x57: {  	_ =	shalt  }
0x58: {  	_ =	shalt  }
0x59: {  	_ =	shalt  }
0x5a: {  	_ =	shalt  }
0x5b: {  	_ =	shalt  }
0x5c: {  	_ =	shalt  }
0x5d: {  	_ =	shalt  }
0x5e: {  	_ =	shalt  }
0x5f: {  	_ =	shalt  }
0x60: {  	_ =	shalt  }
0x61: {  	_ =	shalt  }
0x62: {  	_ =	shalt  }
0x63: {  	_ =	shalt  }
0x64: {  	_ =	shalt  }
0x65: {  	_ =	shalt  }
0x66: {  	_ =	shalt  }
0x67: {  	_ =	shalt  }
0x68: {  	_ =	shalt  }
0x69: {  	_ =	shalt  }
0x6a: {  	_ =	shalt  }
0x6b: {  	_ =	shalt  }
0x6c: {  	_ =	shalt  }
0x6d: {  	_ =	shalt  }
0x6e: {  	_ =	shalt  }
0x6f: {  	_ =	shalt  }
0x70: {  	_ =	shalt  }
0x71: {  	_ =	shalt  }
0x72: {  	_ =	shalt  }
0x73: {  	_ =	shalt  }
0x74: {  	_ =	shalt  }
0x75: {  	_ =	shalt  }
0x76: {  	_ =	shalt  }
0x77: {  	_ =	shalt  }
0x78: {  	_ =	shalt  }
0x79: {  	_ =	shalt  }
0x7a: {  	_ =	shalt  }
0x7b: {  	_ =	shalt  }
0x7c: {  	_ =	shalt  }
0x7d: {  	_ =	shalt  }
0x7e: {  	_ =	shalt  }
0x7f: {  	_ =	shalt  }
0x80: {  	_ =	shalt  }
0x81: {  	_ =	shalt  }
0x82: {  	_ =	shalt  }
0x83: {  	_ =	shalt  }
0x84: {  	_ =	shalt  }
0x85: {  	_ =	shalt  }
0x86: {  	_ =	shalt  }
0x87: {  	_ =	shalt  }
.Lfunc_end0:
.L_simem_size_0:
called_computation_lowered:
.L_overlay_start_0:
0x88: {  	s2 =	sld [smem:$0x3FD9]  }
0x89: {  	s3 =	sld [smem:$0x3FFE];
	_ =	sdelay $0x1  }
0x8a: {  	s1 =	srdreg.scid  }
0x8b: {  	s0 =	sand.u32 $0x1, s1  }
0x8c: {  	s17 =	sshll.u32 s0, $0xA;
	s2 =	sadd.s32 s3, s2  }
0x8d: {  	s2 =	sadd.s32 s2, s17  }
0x8e: {  	[smem:$0x3FC3] =	sst s2  }
0x8f: {  	_ = 	snop  }
0x90: {  	s2 =	sld [smem:$0x3FC9];
	(tm) =	ssettm $0x1  }
0x91: {  	s18 =	sld [smem:$0x3FFB];
	_ =	sdelay $0x3  }
0x92: {  	_ =	strace s18  }
0x93: {  	s3 =	sld [smem:$0x3FFC];
	_ =	sdelay $0x3  }
0x94: {  	_ =	strace s3  }
0x95: {  	s3 =	sld [smem:$0x3FFD];
	_ =	sdelay $0x3  }
0x96: {  	_ =	strace s3  }
0x97: {  	_ =	strace $0x8FFFFFFF  }
0x98: {  	s19 =	sld [smem:$0x3FDB];
	_ =	sdelay $0x1  }
0x99: {  	s4 =	simm.s32 $_scs_section_size  }
0x9a: {  	s5 =	simm.s32 $_size__tile_overlayer_lowered;
	s6 =	simm.s32 $_tile_overlayer_lowered  }
0x9b: {  	s22 =	simm.s32 $0x1BFF;
	s21 =	sshll.u32 s6, $0x1;
	s3 =	sadd.s32 s4, s19  }
0x9c: {  	s7 =	simm.s32 $0x0;
	s20 =	sshll.u32 s5, $0x1;
	s5 =	sadd.s32 s21, s3  }
0x9d: {  	[timem:s7], [sflag:s22] =	dma.local [hbm:s5], s20  }
0x9e: {  	_ =	swait.ge [sflag:s22], s20  }
0x9f: {  	s4 =	ssub.s32 $0x0, s20;
	[sflag:s22] =	ssyncset.done $0x0  }
0xa0: {  	[sflag:s22] =	ssyncadd.s32 s4;
	_ =	sdelay $0x1  }
0xa1: {  	s23 =	simm.s32 $0x1B8B  }
0xa2: {  	_ =	swait.ge [sflag:s23], $0x1  }
0xa3: {  	[sflag:s23] =	ssyncset.done $0x0  }
0xa4: {  	s25 =	simm.s32 $0x1B8E;
	s24 =	sld [smem:$0x3FFE];
	[sflag:s23] =	ssyncadd.s32 $0xFFFFFFFF  }
0xa5: {  	s26 =	simm.s32 $execute0_lowered;
	[smem:$0x3FD2] =	sst s25  }
0xa6: {  	s5 =	sshll.u32 s26, $0x1;
	_ =	strace $0x80000046;
	[dreg:$0x1] =	wrdreg $0xFFFFFFFF  }
0xa7: {  	s28 =	simm.s32 $_size_execute0_lowered;
	s3 =	sadd.s32 s3, s5;
	[dreg:$0x0] =	wrdreg $0x0  }
0xa8: {  	s5 =	sshll.u32 s28, $0x1;
	[dreg:$0x2] =	wrdreg s3  }
0xa9: {  	[dreg:$0x3] =	wrdreg s5  }
0xaa: {  	[dreg:$0x4] =	wrdreg $0xC0  }
0xab: {  	_ =	task [dreg:s7], $0x5FFFF  }
0xac: {  	[dreg:$0x1] =	wrdreg $0xFFFFFFFF  }
0xad: {  	[dreg:$0x0] =	wrdreg $0x60  }
0xae: {  	[dreg:$0x2] =	wrdreg s2  }
0xaf: {  	[dreg:$0x3] =	wrdreg s24  }
0xb0: {  	[dreg:$0x4] =	wrdreg $0x9  }
0xb1: {  	_ =	task.clear_ibuf [dreg:s7], $0x5FFFF;
	_ =	strace $0x90000046  }
0xb2: {  	s29 =	simm.s32 $0x9;
	_ =	strace $0x80000048  }
0xb3: {  	_ =	swait.ge [sflag:s29], $0x1  }
0xb4: {  	[sflag:s29] =	ssyncadd.s32 $0xFFFFFFFF  }
0xb5: {  	_ =	strace $0x90000048  }
0xb6: {  	_ =	sfence  }
0xb7: {  	s30 =	sld [smem:$0x0];
	_ =	sdelay $0x2  }
0xb8: {  	s31 =	sshll.u32 s1, $0xD;
	s1 =	sshrl.u32 s1, $0x2  }
0xb9: {  	s3 =	sand.u32 $0x4000, s31;
	s1 =	sadd.s32 s1, s30  }
0xba: {  	s0 =	sor.u32 s3, s0;
	s1 =	sshll.u32 s1, $0x11  }
0xbb: {  	s0 =	sor.u32 s1, s0  }
0xbc: {  	s0 =	sadd.s32 $0x8F2B, s0  }
0xbd: {  	[sflag:s0] =	ssyncadd.remote.s32 $0x1  }
0xbe: {  	_ =	sfence.sel $0xFFFF  }
0xbf: {  	[dreg:$0x0] =	wrdreg $0xFFFFFFFF;
	(pc) =	sbr.abs _section_cstart, $3  }
0xc0: {  	[dreg:$0x1] =	wrdreg $0xFFFFFFFF  }
0xc1: {  	_ =	task.clear_ibuf [dreg:s7], $0x2FFFF;
	_ =	strace $0x9FFFFFFF  }
0xc2: {  	(tm) =	ssettm $0x7FFFFFFF  }
0xc3: {  	_ =	shalt  }
tec
execute0_lowered:
.L_overlay_start_1:
0x0: {  	(tag) =	ssettag $0x1  }
0x1: {  	s3 =	rddreg [dreg:$0x0]  }
0x2: {  	s5 =	rddreg [dreg:$0x1];
	s2 =	simm.s32 $0x0  }
0x3: {  	s0 =	stileid.u32;
	s25 =	simm.s32 $0x880;
	[smem:$0x7FF] =	sst s2  }
0x4: {  	s26 =	simm.s32 $0x1080;
	_ =	strace $0x80000047;
	[dreg:$0x5] =	wrdreg s25  }
0x5: {  	s4 =	sshll.u32 s0, $0x5;
	s0 =	simm.s32 $0x1880;
	[dreg:$0x6] =	wrdreg s26  }
0x6: {  	s7 =	simm.s32 $0x3080;
	[dreg:$0x7] =	wrdreg s0  }
0x7: {  	s8 =	simm.s32 $0x3880;
	[dreg:$0xa] =	wrdreg s7  }
0x8: {  	s9 =	simm.s32 $0x4080;
	[dreg:$0xb] =	wrdreg s8  }
0x9: {  	s10 =	simm.s32 $0x4880;
	[dreg:$0xc] =	wrdreg s9  }
0xa: {  	s11 =	simm.s32 $0x5080;
	[dreg:$0xd] =	wrdreg s10  }
0xb: {  	s12 =	simm.s32 $0x5880;
	[dreg:$0xe] =	wrdreg s11  }
0xc: {  	s13 =	simm.s32 $0x6080;
	[dreg:$0xf] =	wrdreg s12  }
0xd: {  	s14 =	simm.s32 $0x6880;
	[dreg:$0x10] =	wrdreg s13  }
0xe: {  	s15 =	simm.s32 $0x7080;
	[dreg:$0x11] =	wrdreg s14  }
0xf: {  	s16 =	simm.s32 $0x7880;
	[dreg:$0x12] =	wrdreg s15  }
0x10: {  	s1 =	srdreg.scid;
	s17 =	simm.s32 $0x8080;
	[dreg:$0x13] =	wrdreg s16  }
0x11: {  	s18 =	simm.s32 $0x8880;
	s19 =	simm.s32 $0x9080;
	[dreg:$0x14] =	wrdreg s17  }
0x12: {  	s21 =	simm.s32 $0x9880;
	s22 =	simm.s32 $0xA080;
	[dreg:$0x15] =	wrdreg s18  }
0x13: {  	s23 =	simm.s32 $0xA880;
	s24 =	simm.s32 $0xB880;
	[dreg:$0x16] =	wrdreg s19  }
0x14: {  	s28 =	simm.s32 $0x16080;
	s29 =	simm.s32 $0x16880;
	[dreg:$0x17] =	wrdreg s21  }
0x15: {  	s30 =	simm.s32 $0x17080;
	s1 =	sand.u32 $0x1, s1;
	[dreg:$0x18] =	wrdreg s22  }
0x16: {  	s31 =	simm.s32 $0x17880;
	s6 =	sshll.u32 s1, $0x4;
	[dreg:$0x19] =	wrdreg s23  }
0x17: {  	s1 =	ssub.s32 $0x2, s1;
	s7 =	simm.s32 $0xB080;
	[dreg:$0x1b] =	wrdreg s24  }
0x18: {  	s25 =	simm.s32 $0xC080;
	s8 =	simm.s32 $0x80;
	s26 =	simm.s32 $0xC880  }
0x19: {  	s10 =	simm.s32 $0xD880;
	s11 =	simm.s32 $0xE080;
	s12 =	simm.s32 $0xE880  }
0x1a: {  	s13 =	simm.s32 $0xF080;
	s14 =	simm.s32 $0xF880;
	s15 =	simm.s32 $0x10080  }
0x1b: {  	s16 =	simm.s32 $0x10880;
	s17 =	simm.s32 $0x11080;
	s18 =	simm.s32 $0x11880  }
0x1c: {  	s19 =	simm.s32 $0x12080;
	s21 =	simm.s32 $0x13080;
	s22 =	simm.s32 $0x13880  }
0x1d: {  	s23 =	simm.s32 $0x14080;
	s24 =	simm.s32 $0x14880;
	s4 =	sor.u32 s6, s4  }
0x1e: {  	s20 =	sshrl.u32 s1, $0x1;
	[dreg:$0x1a] =	wrdreg s7;
	s7 =	simm.s32 $0x2  }
0x1f: {  	[dreg:$0x1c] =	wrdreg s25;
	s6 =	sadd.s32 s4, s5;
	s4 =	smul.u32 $0x300, s4  }
0x20: {  	[dreg:$0x1d] =	wrdreg s26;
	s25 =	simm.s32 $0x15080;
	s6 =	sadd.s32 $0x1000, s6  }
0x21: {  	s26 =	simm.s32 $0x15880;
	[dreg:$0x3] =	wrdreg s6;
	s3 =	sadd.s32 s3, s4  }
0x22: {  	s1 =	ssub.s32 s1, s20;
	s4 =	simm.s32 $0x2080;
	[dreg:$0x4] =	wrdreg s3  }
0x23: {  	v2 =	vlaneseq.u32;
	s20 =	simm.s32 $0x12880;
	s6 =	simm.s32 $0x2880;
	[dreg:$0x8] =	wrdreg s4  }
0x24: {  	vm0 =	vmmov $0xffff;
	v1 =	vshrl.u32 v2, $0x3;
	[dreg:$0x9] =	wrdreg s6;
	s3 =	sadd.s32 $0x1200, s5;
	s4 =	sadd.s32 $0x1300, s5  }
0x25: {  	v0 =	vand.u32 $0x7, v2;
	v2 =	vor.u32 $0x8, v2;
	v1 =	vmul.u32 $0x8, v1;
	s5 =	sadd.s32 $0x1400, s5;
	s6 =	smax.u32 s1, $0x1;
	s1 =	simm.s32 $0x1  }
.LBB2_1:
0x26: {  	s0 =	rddreg [dreg:$0x3]  }
0x27: {  	[tilespmem:s2], [sflag:$0x2] =	stream.linear.gather [hbm4b:s0+s2], $0x80, $0x38;
	[tilespmem:$0x18080] =	vst v63  }
0x28: {  	_ =	swait.ge [sflag:s7], $0x80  }
0x29: {  	[sflag:s7] =	ssyncset.done $0x0  }
0x2a: {  	s9 =	rddreg [dreg:$0x4];
	[sflag:s7] =	ssyncadd.s32 $0xFFFFFF80  }
0x2b: {  	[tilespmem:s8], [sflag:$0x2] =	stream.linear.gather [hbm4b:s9+s2], $0x18000, $0x38;
	[tilespmem:$0x18080] =	vst v63  }
0x2c: {  	_ =	swait.ge [sflag:s7], $0x18000  }
0x2d: {  	[sflag:s7] =	ssyncset.done $0x0  }
0x2e: {  	[sflag:s7] =	ssyncadd.s32 $0xFFFE8000  }
0x2f: {  	v3 =	vld [tilespmem:$0x0];
	_ =	sdelay $0x4  }
0x30: {  	v4 =	vshrl.u32 v3, $0x3  }
0x31: {  	v4 =	vmul.u32 $0x30, v4  }
0x32: {  	v3 =	vand.u32 $0x7, v3  }
0x33: {  	v3 =	vor.u32 v3, v4  }
0x34: {  	v4 =	vperm.xlane v3, v0;
	_ =	sdelay $0x1  }
0x35: {  	v4 =	vadd.s32 v1, v4;
	_ =	sdelay $0x3  }
0x36: {  	v3 =	vperm.xlane v3, v2  }
0x37: {  	[hbm4b:s3+s2] =	stream.indirect_vreg.scatter [tilespmem:s8], [sflag:$0x1], $0x80, v4, vm0, $0xb8;
	[tilespmem:$0x18080] =	vst v63  }
0x38: {  	s0 =	rddreg [dreg:$0x5];
	v3 =	vadd.s32 v1, v3  }
0x39: {  	[hbm4b:s4+s2] =	stream.indirect_vreg.scatter [tilespmem:s0], [sflag:$0x1], $0x80, v4, vm0, $0xb8;
	[tilespmem:$0x18080] =	vst v63  }
0x3a: {  	s9 =	rddreg [dreg:$0x6]  }
0x3b: {  	[hbm4b:s5+s2] =	stream.indirect_vreg.scatter [tilespmem:s9], [sflag:$0x1], $0x80, v4, vm0, $0xb8;
	[tilespmem:$0x18080] =	vst v63  }
0x3c: {  	s0 =	rddreg [dreg:$0x7]  }
0x3d: {  	[hbm4b:s3+s2] =	stream.indirect_vreg.scatter [tilespmem:s0], [sflag:$0x1], $0x80, v3, vm0, $0xb8;
	[tilespmem:$0x18080] =	vst v63  }
0x3e: {  	s9 =	rddreg [dreg:$0x8]  }
0x3f: {  	[hbm4b:s4+s2] =	stream.indirect_vreg.scatter [tilespmem:s9], [sflag:$0x1], $0x80, v3, vm0, $0xb8;
	[tilespmem:$0x18080] =	vst v63  }
0x40: {  	s0 =	rddreg [dreg:$0x9]  }
0x41: {  	[hbm4b:s5+s2] =	stream.indirect_vreg.scatter [tilespmem:s0], [sflag:$0x1], $0x80, v3, vm0, $0xb8;
	[tilespmem:$0x18080] =	vst v63  }
0x42: {  	v3 =	vld [tilespmem:$0x10];
	_ =	sdelay $0x4  }
0x43: {  	v57 =	vshrl.u32 v3, $0x3  }
0x44: {  	v4 =	vmul.u32 $0x30, v57  }
0x45: {  	v3 =	vand.u32 $0x7, v3  }
0x46: {  	v3 =	vor.u32 v3, v4  }
0x47: {  	v4 =	vperm.xlane v3, v0;
	_ =	sdelay $0x1  }
0x48: {  	v4 =	vadd.s32 v1, v4;
	_ =	sdelay $0x3  }
0x49: {  	s0 =	rddreg [dreg:$0xa];
	v3 =	vperm.xlane v3, v2  }
0x4a: {  	[hbm4b:s3+s2] =	stream.indirect_vreg.scatter [tilespmem:s0], [sflag:$0x1], $0x80, v4, vm0, $0xb8;
	[tilespmem:$0x18080] =	vst v63  }
0x4b: {  	s9 =	rddreg [dreg:$0xb];
	v3 =	vadd.s32 v1, v3  }
0x4c: {  	[hbm4b:s4+s2] =	stream.indirect_vreg.scatter [tilespmem:s9], [sflag:$0x1], $0x80, v4, vm0, $0xb8;
	[tilespmem:$0x18080] =	vst v63  }
0x4d: {  	s0 =	rddreg [dreg:$0xc]  }
0x4e: {  	[hbm4b:s5+s2] =	stream.indirect_vreg.scatter [tilespmem:s0], [sflag:$0x1], $0x80, v4, vm0, $0xb8;
	[tilespmem:$0x18080] =	vst v63  }
0x4f: {  	s9 =	rddreg [dreg:$0xd]  }
0x50: {  	[hbm4b:s3+s2] =	stream.indirect_vreg.scatter [tilespmem:s9], [sflag:$0x1], $0x80, v3, vm0, $0xb8;
	[tilespmem:$0x18080] =	vst v63  }
0x51: {  	s0 =	rddreg [dreg:$0xe]  }
0x52: {  	[hbm4b:s4+s2] =	stream.indirect_vreg.scatter [tilespmem:s0], [sflag:$0x1], $0x80, v3, vm0, $0xb8;
	[tilespmem:$0x18080] =	vst v63  }
0x53: {  	s9 =	rddreg [dreg:$0xf]  }
0x54: {  	[hbm4b:s5+s2] =	stream.indirect_vreg.scatter [tilespmem:s9], [sflag:$0x1], $0x80, v3, vm0, $0xb8;
	[tilespmem:$0x18080] =	vst v63  }
0x55: {  	v3 =	vld [tilespmem:$0x20];
	_ =	sdelay $0x4  }
0x56: {  	v58 =	vshrl.u32 v3, $0x3  }
0x57: {  	v4 =	vmul.u32 $0x30, v58  }
0x58: {  	v3 =	vand.u32 $0x7, v3  }
0x59: {  	v3 =	vor.u32 v3, v4  }
0x5a: {  	v4 =	vperm.xlane v3, v0;
	_ =	sdelay $0x1  }
0x5b: {  	v4 =	vadd.s32 v1, v4;
	_ =	sdelay $0x3  }
0x5c: {  	s0 =	rddreg [dreg:$0x10];
	v3 =	vperm.xlane v3, v2  }
0x5d: {  	[hbm4b:s3+s2] =	stream.indirect_vreg.scatter [tilespmem:s0], [sflag:$0x1], $0x80, v4, vm0, $0xb8;
	[tilespmem:$0x18080] =	vst v63  }
0x5e: {  	s9 =	rddreg [dreg:$0x11];
	v3 =	vadd.s32 v1, v3  }
0x5f: {  	[hbm4b:s4+s2] =	stream.indirect_vreg.scatter [tilespmem:s9], [sflag:$0x1], $0x80, v4, vm0, $0xb8;
	[tilespmem:$0x18080] =	vst v63  }
0x60: {  	s0 =	rddreg [dreg:$0x12]  }
0x61: {  	[hbm4b:s5+s2] =	stream.indirect_vreg.scatter [tilespmem:s0], [sflag:$0x1], $0x80, v4, vm0, $0xb8;
	[tilespmem:$0x18080] =	vst v63  }
0x62: {  	s9 =	rddreg [dreg:$0x13]  }
0x63: {  	[hbm4b:s3+s2] =	stream.indirect_vreg.scatter [tilespmem:s9], [sflag:$0x1], $0x80, v3, vm0, $0xb8;
	[tilespmem:$0x18080] =	vst v63  }
0x64: {  	s0 =	rddreg [dreg:$0x14]  }
0x65: {  	[hbm4b:s4+s2] =	stream.indirect_vreg.scatter [tilespmem:s0], [sflag:$0x1], $0x80, v3, vm0, $0xb8;
	[tilespmem:$0x18080] =	vst v63  }
0x66: {  	s9 =	rddreg [dreg:$0x15]  }
0x67: {  	[hbm4b:s5+s2] =	stream.indirect_vreg.scatter [tilespmem:s9], [sflag:$0x1], $0x80, v3, vm0, $0xb8;
	[tilespmem:$0x18080] =	vst v63  }
0x68: {  	v3 =	vld [tilespmem:$0x30];
	_ =	sdelay $0x4  }
0x69: {  	v59 =	vshrl.u32 v3, $0x3  }
0x6a: {  	v4 =	vmul.u32 $0x30, v59  }
0x6b: {  	v3 =	vand.u32 $0x7, v3  }
0x6c: {  	v3 =	vor.u32 v3, v4  }
0x6d: {  	v4 =	vperm.xlane v3, v0;
	_ =	sdelay $0x1  }
0x6e: {  	v4 =	vadd.s32 v1, v4;
	_ =	sdelay $0x3  }
0x6f: {  	s0 =	rddreg [dreg:$0x16];
	v3 =	vperm.xlane v3, v2  }
0x70: {  	[hbm4b:s3+s2] =	stream.indirect_vreg.scatter [tilespmem:s0], [sflag:$0x1], $0x80, v4, vm0, $0xb8;
	[tilespmem:$0x18080] =	vst v63  }
0x71: {  	s9 =	rddreg [dreg:$0x17];
	v3 =	vadd.s32 v1, v3  }
0x72: {  	[hbm4b:s4+s2] =	stream.indirect_vreg.scatter [tilespmem:s9], [sflag:$0x1], $0x80, v4, vm0, $0xb8;
	[tilespmem:$0x18080] =	vst v63  }
0x73: {  	s0 =	rddreg [dreg:$0x18]  }
0x74: {  	[hbm4b:s5+s2] =	stream.indirect_vreg.scatter [tilespmem:s0], [sflag:$0x1], $0x80, v4, vm0, $0xb8;
	[tilespmem:$0x18080] =	vst v63  }
0x75: {  	s9 =	rddreg [dreg:$0x19]  }
0x76: {  	[hbm4b:s3+s2] =	stream.indirect_vreg.scatter [tilespmem:s9], [sflag:$0x1], $0x80, v3, vm0, $0xb8;
	[tilespmem:$0x18080] =	vst v63  }
0x77: {  	s0 =	rddreg [dreg:$0x1a]  }
0x78: {  	[hbm4b:s4+s2] =	stream.indirect_vreg.scatter [tilespmem:s0], [sflag:$0x1], $0x80, v3, vm0, $0xb8;
	[tilespmem:$0x18080] =	vst v63  }
0x79: {  	s9 =	rddreg [dreg:$0x1b]  }
0x7a: {  	[hbm4b:s5+s2] =	stream.indirect_vreg.scatter [tilespmem:s9], [sflag:$0x1], $0x80, v3, vm0, $0xb8;
	[tilespmem:$0x18080] =	vst v63  }
0x7b: {  	v3 =	vld [tilespmem:$0x40];
	_ =	sdelay $0x4  }
0x7c: {  	v60 =	vshrl.u32 v3, $0x3  }
0x7d: {  	v4 =	vmul.u32 $0x30, v60  }
0x7e: {  	v3 =	vand.u32 $0x7, v3  }
0x7f: {  	v3 =	vor.u32 v3, v4  }
0x80: {  	v4 =	vperm.xlane v3, v0;
	_ =	sdelay $0x1  }
0x81: {  	v4 =	vadd.s32 v1, v4;
	_ =	sdelay $0x3  }
0x82: {  	s0 =	rddreg [dreg:$0x1c];
	v3 =	vperm.xlane v3, v2  }
0x83: {  	[hbm4b:s3+s2] =	stream.indirect_vreg.scatter [tilespmem:s0], [sflag:$0x1], $0x80, v4, vm0, $0xb8;
	[tilespmem:$0x18080] =	vst v63  }
0x84: {  	s9 =	rddreg [dreg:$0x1d];
	v3 =	vadd.s32 v1, v3  }
0x85: {  	[hbm4b:s4+s2] =	stream.indirect_vreg.scatter [tilespmem:s9], [sflag:$0x1], $0x80, v4, vm0, $0xb8;
	[tilespmem:$0x18080] =	vst v63  }
0x86: {  	s9 =	simm.s32 $0xD080  }
0x87: {  	[hbm4b:s5+s2] =	stream.indirect_vreg.scatter [tilespmem:s9], [sflag:$0x1], $0x80, v4, vm0, $0xb8;
	[tilespmem:$0x18080] =	vst v63  }
0x88: {  	_ = 	snop  }
0x89: {  	[hbm4b:s3+s2] =	stream.indirect_vreg.scatter [tilespmem:s10], [sflag:$0x1], $0x80, v3, vm0, $0xb8;
	[tilespmem:$0x18080] =	vst v63  }
0x8a: {  	_ = 	snop  }
0x8b: {  	[hbm4b:s4+s2] =	stream.indirect_vreg.scatter [tilespmem:s11], [sflag:$0x1], $0x80, v3, vm0, $0xb8;
	[tilespmem:$0x18080] =	vst v63  }
0x8c: {  	_ = 	snop  }
0x8d: {  	[hbm4b:s5+s2] =	stream.indirect_vreg.scatter [tilespmem:s12], [sflag:$0x1], $0x80, v3, vm0, $0xb8;
	[tilespmem:$0x18080] =	vst v63  }
0x8e: {  	v3 =	vld [tilespmem:$0x50];
	_ =	sdelay $0x4  }
0x8f: {  	v61 =	vshrl.u32 v3, $0x3  }
0x90: {  	v4 =	vmul.u32 $0x30, v61  }
0x91: {  	v3 =	vand.u32 $0x7, v3  }
0x92: {  	v3 =	vor.u32 v3, v4  }
0x93: {  	v4 =	vperm.xlane v3, v0;
	_ =	sdelay $0x1  }
0x94: {  	v4 =	vadd.s32 v1, v4;
	_ =	sdelay $0x3  }
0x95: {  	v3 =	vperm.xlane v3, v2  }
0x96: {  	[hbm4b:s3+s2] =	stream.indirect_vreg.scatter [tilespmem:s13], [sflag:$0x1], $0x80, v4, vm0, $0xb8;
	[tilespmem:$0x18080] =	vst v63  }
0x97: {  	v3 =	vadd.s32 v1, v3  }
0x98: {  	[hbm4b:s4+s2] =	stream.indirect_vreg.scatter [tilespmem:s14], [sflag:$0x1], $0x80, v4, vm0, $0xb8;
	[tilespmem:$0x18080] =	vst v63  }
0x99: {  	_ = 	snop  }
0x9a: {  	[hbm4b:s5+s2] =	stream.indirect_vreg.scatter [tilespmem:s15], [sflag:$0x1], $0x80, v4, vm0, $0xb8;
	[tilespmem:$0x18080] =	vst v63  }
0x9b: {  	_ = 	snop  }
0x9c: {  	[hbm4b:s3+s2] =	stream.indirect_vreg.scatter [tilespmem:s16], [sflag:$0x1], $0x80, v3, vm0, $0xb8;
	[tilespmem:$0x18080] =	vst v63  }
0x9d: {  	_ = 	snop  }
0x9e: {  	[hbm4b:s4+s2] =	stream.indirect_vreg.scatter [tilespmem:s17], [sflag:$0x1], $0x80, v3, vm0, $0xb8;
	[tilespmem:$0x18080] =	vst v63  }
0x9f: {  	_ = 	snop  }
0xa0: {  	[hbm4b:s5+s2] =	stream.indirect_vreg.scatter [tilespmem:s18], [sflag:$0x1], $0x80, v3, vm0, $0xb8;
	[tilespmem:$0x18080] =	vst v63  }
0xa1: {  	v3 =	vld [tilespmem:$0x60];
	_ =	sdelay $0x4  }
0xa2: {  	v62 =	vshrl.u32 v3, $0x3  }
0xa3: {  	v4 =	vmul.u32 $0x30, v62  }
0xa4: {  	v3 =	vand.u32 $0x7, v3  }
0xa5: {  	v3 =	vor.u32 v3, v4  }
0xa6: {  	v4 =	vperm.xlane v3, v0;
	_ =	sdelay $0x1  }
0xa7: {  	v4 =	vadd.s32 v1, v4;
	_ =	sdelay $0x3  }
0xa8: {  	v3 =	vperm.xlane v3, v2  }
0xa9: {  	[hbm4b:s3+s2] =	stream.indirect_vreg.scatter [tilespmem:s19], [sflag:$0x1], $0x80, v4, vm0, $0xb8;
	[tilespmem:$0x18080] =	vst v63  }
0xaa: {  	v3 =	vadd.s32 v1, v3  }
0xab: {  	[hbm4b:s4+s2] =	stream.indirect_vreg.scatter [tilespmem:s20], [sflag:$0x1], $0x80, v4, vm0, $0xb8;
	[tilespmem:$0x18080] =	vst v63  }
0xac: {  	_ = 	snop  }
0xad: {  	[hbm4b:s5+s2] =	stream.indirect_vreg.scatter [tilespmem:s21], [sflag:$0x1], $0x80, v4, vm0, $0xb8;
	[tilespmem:$0x18080] =	vst v63  }
0xae: {  	_ = 	snop  }
0xaf: {  	[hbm4b:s3+s2] =	stream.indirect_vreg.scatter [tilespmem:s22], [sflag:$0x1], $0x80, v3, vm0, $0xb8;
	[tilespmem:$0x18080] =	vst v63  }
0xb0: {  	_ = 	snop  }
0xb1: {  	[hbm4b:s4+s2] =	stream.indirect_vreg.scatter [tilespmem:s23], [sflag:$0x1], $0x80, v3, vm0, $0xb8;
	[tilespmem:$0x18080] =	vst v63  }
0xb2: {  	_ = 	snop  }
0xb3: {  	[hbm4b:s5+s2] =	stream.indirect_vreg.scatter [tilespmem:s24], [sflag:$0x1], $0x80, v3, vm0, $0xb8;
	[tilespmem:$0x18080] =	vst v63  }
0xb4: {  	v3 =	vld [tilespmem:$0x70];
	_ =	sdelay $0x4  }
0xb5: {  	v63 =	vshrl.u32 v3, $0x3  }
0xb6: {  	v4 =	vmul.u32 $0x30, v63  }
0xb7: {  	v3 =	vand.u32 $0x7, v3  }
0xb8: {  	v3 =	vor.u32 v3, v4  }
0xb9: {  	v4 =	vperm.xlane v3, v0;
	_ =	sdelay $0x1  }
0xba: {  	v4 =	vadd.s32 v1, v4;
	_ =	sdelay $0x3  }
0xbb: {  	v3 =	vperm.xlane v3, v2  }
0xbc: {  	[hbm4b:s3+s2] =	stream.indirect_vreg.scatter [tilespmem:s25], [sflag:$0x1], $0x80, v4, vm0, $0xb8;
	[tilespmem:$0x18080] =	vst v63  }
0xbd: {  	v3 =	vadd.s32 v1, v3  }
0xbe: {  	[hbm4b:s4+s2] =	stream.indirect_vreg.scatter [tilespmem:s26], [sflag:$0x1], $0x80, v4, vm0, $0xb8;
	[tilespmem:$0x18080] =	vst v63  }
0xbf: {  	_ = 	snop  }
0xc0: {  	[hbm4b:s5+s2] =	stream.indirect_vreg.scatter [tilespmem:s28], [sflag:$0x1], $0x80, v4, vm0, $0xb8;
	[tilespmem:$0x18080] =	vst v63  }
0xc1: {  	_ = 	snop  }
0xc2: {  	[hbm4b:s3+s2] =	stream.indirect_vreg.scatter [tilespmem:s29], [sflag:$0x1], $0x80, v3, vm0, $0xb8;
	[tilespmem:$0x18080] =	vst v63  }
0xc3: {  	p0 =	sne.s32 s6, $0x1  }
0xc4: {  	[hbm4b:s4+s2] =	stream.indirect_vreg.scatter [tilespmem:s30], [sflag:$0x1], $0x80, v3, vm0, $0xb8;
	[tilespmem:$0x18080] =	vst v63  }
.Ltmp0:
0xc5: {  	_ = 	snop;
	(pc) =	sbr.rel @p0 .LBB2_1-.Ltmp0, $4  }
0xc6: {  	[hbm4b:s5+s2] =	stream.indirect_vreg.scatter [tilespmem:s31], [sflag:$0x1], $0x80, v3, vm0, $0xb8;
	[tilespmem:$0x18080] =	vst v63  }
0xc7: {  	_ =	swait.ge [sflag:s1], $0x18000  }
0xc8: {  	[sflag:s1] =	ssyncset.done $0x0  }
0xc9: {  	s6 =	sadd.s32 $0xFFFFFFFF, s6;
	[sflag:s1] =	ssyncadd.s32 $0xFFFE8000  }
0xca: {  	_ =	sfence.sel $0x180000  }
0xcb: {  	[bflag:$0x0] =	sbarrier.arrive $0xFFFF  }
0xcc: {  	_ =	strace $0x90000047  }
0xcd: {  	s0 =	stileid.u32;
	[bflag:$0x2] =	sbarrier.arrive $0xFFFF  }
0xce: {  	p0 =	sne.s32 s0, $0x0;
	s0 =	rddreg [dreg:$0x2]  }
0xcf: {  	s0 =	sadd.s32 @!p0 $0x100000, s0  }
0xd0: {  	[sflag:s0] =	ssyncadd.tile.s32 @!p0 $0x1;
	_ =	shalt  }
.Lfunc_end2:
_tile_overlayer_lowered:
.L_overlay_start_2:
0xd1: {  	(tag) =	ssettag $0x2  }
0xd2: {  	s0 =	rddreg [dreg:$0x0];
	s2 =	stileid.u32  }
0xd3: {  	s1 =	rddreg [dreg:$0x1];
	p0 =	sne.s32 s2, $0x0  }
0xd4: {  	s3 =	rddreg [dreg:$0x2];
	[bflag:$0x3] =	sbarrier.arrive $0xFFFF;
	s2 =	simm.s32 @!p0 $0x1C02  }
0xd5: {  	[timem:s3], [sflag:s2] =	dma.local @!p0 [hbm:s0], s1  }
0xd6: {  	s0 =	simm.s32 @!p0 $0x2  }
0xd7: {  	_ =	swait.ge @!p0 [sflag:s0], s1  }
0xd8: {  	s1 =	ssub.s32 @!p0 $0x0, s1;
	[sflag:s0] =	ssyncset.done @!p0 $0x0  }
0xd9: {  	[sflag:s0] =	ssyncadd.s32 @!p0 s1  }
0xda: {  	[bflag:$0x3] =	sbarrier.arrive $0xFFFF  }
0xdb: {  	_ =	shalt  }

// kernel: kernel.9.cloned.1.call-start
scs
__scs_entry_jumppad:
0x0: {  	(pc) =	sbr.rel $0x88, $3  }
0x1: {  	(tag) =	ssettag $0x0;
	lr =	simm.s32 $0x1  }
0x2: {  	[smem:$0x3F9C] =	sst lr;
	_ =	strace $0xD0000000  }
0x3: {  	_ = 	snop  }
0x4: {  	_ = 	snop  }
0x5: {  	_ = 	snop  }
0x6: {  	_ = 	snop  }
0x7: {  	_ = 	snop  }
__scs_overlays_trampoline_lowered:
0x8: {  	[smem:$0x3FAB] =	sst s0  }
0x9: {  	[smem:$0x3FAC] =	sst s1  }
0xa: {  	[smem:$0x3FAD] =	sst s2  }
0xb: {  	[smem:$0x3FAE] =	sst s3  }
0xc: {  	[smem:$0x3FAF] =	sst s4  }
0xd: {  	[smem:$0x3FB0] =	sst s5  }
0xe: {  	[smem:$0x3FB1] =	sst s6  }
0xf: {  	[smem:$0x3FB2] =	sst s7  }
0x10: {  	[smem:$0x3FB3] =	sst s8  }
0x11: {  	[smem:$0x3FB4] =	sst s9;
	s0 =	simm.s32 @!p0 $0x0  }
0x12: {  	s1 =	sld [smem:$0x3F9A];
	s0 =	simm.s32 @p0 $0x1  }
0x13: {  	[smem:$0x3FB5] =	sst s0;
	s0 =	simm.s32 @!p1 $0x0  }
0x14: {  	s2 =	sld [smem:$0x3F99];
	s0 =	simm.s32 @p1 $0x1  }
0x15: {  	[smem:$0x3FB6] =	sst s0;
	s0 =	simm.s32 @!p2 $0x0  }
0x16: {  	s3 =	sld [smem:$0x3FDB];
	s0 =	simm.s32 @p2 $0x1  }
0x17: {  	s4 =	simm.s32 $0x1BF5;
	[smem:$0x3FB8] =	sst s0  }
0x18: {  	s0 =	sld [smem:$0x3F9B];
	_ =	swait.ge [sflag:s4], $0x0  }
0x19: {  	s7 =	sld [smem:$0x3F9C]  }
0x1a: {  	s8 =	sadd.s32 $0xFFFFE003, lr  }
0x1b: {  	s9 =	sadd.s32 $0xFFFFFEF7, lr;
	s5 =	simm.s32 $0xFFFFFFFF;
	p2 =	slt.u32 s8, $0xFFFFF086  }
0x1c: {  	p1 =	slt.u32 s9, $0xF7A;
	s5 =	simm.s32 @!p2 $0x0  }
0x1d: {  	s5 =	simm.s32 @p1 $0x1;
	p0 =	seq.s32 s7, s2  }
0x1e: {  	s7 =	smul.u32 @!p0 $0xF7A, s2;
	p2 =	seq.s32 @!p0 s5, $0x0  }
0x1f: {  	s9 =	smul.u32 $0xF7A, s1;
	s8 =	simm.s32 @!p0 $0x1BF5;
	p2 =	por !p2, p0  }
0x20: {  	[sflag:s8] =	ssyncset.s32 @!p0 $0xFFFFF086;
	s6 =	sadd.s32 @!p0 s3, s7;
	s7 =	simm.s32 @!p0 $0x108  }
0x21: {  	s3 =	sadd.s32 s3, s9;
	s6 =	sadd.s32 @!p0 $0x88, s6;
	s7 =	simm.s32 @p2 $0x1082  }
0x22: {  	[simem:s7], [sflag:s8] =	dma.local @!p0 [hbm:s6], $0xF7A  }
0x23: {  	s9 =	sor.u32 $0xD0000000, s2;
	s6 =	simm.s32 $0x108;
	_ =	swait.ge @!p0 [sflag:s8], $0x0  }
0x24: {  	s3 =	sadd.s32 $0x88, s3;
	s6 =	simm.s32 @!p1 $0x1082;
	[sflag:s4] =	ssyncset.s32 $0xFFFFF086  }
0x25: {  	[simem:s6], [sflag:s4] =	dma.local [hbm:s3], $0xF7A  }
0x26: {  	[smem:$0x3F9C] =	sst s1;
	(tag) =	ssettag s2;
	_ =	strace s9  }
0x27: {  	s1 =	sld [smem:$0x3FAC]  }
0x28: {  	s2 =	sld [smem:$0x3FAD]  }
0x29: {  	s4 =	sld [smem:$0x3FAF]  }
0x2a: {  	p0 =	seq.s32 s5, $0x0;
	s5 =	sld [smem:$0x3FB0]  }
0x2b: {  	s6 =	sld [smem:$0x3FB1]  }
0x2c: {  	s7 =	sld [smem:$0x3FB2]  }
0x2d: {  	s3 =	simm.s32 $0x108;
	s8 =	sld [smem:$0x3FB3]  }
0x2e: {  	s3 =	simm.s32 @!p0 $0x1082;
	s9 =	sld [smem:$0x3FB4]  }
0x2f: {  	lr =	sadd.s32 s0, s3;
	s0 =	sld [smem:$0x3FAB]  }
0x30: {  	s3 =	sld [smem:$0x3FAE]  }
0x31: {  	[smem:$0x3FB7] =	sst s10  }
0x32: {  	s10 =	sld [smem:$0x3FB5];
	_ =	sdelay $0x3  }
0x33: {  	p0 =	seq.s32 s10, $0x1;
	s10 =	sld [smem:$0x3FB7];
	_ =	sdelay $0x3  }
0x34: {  	[smem:$0x3FB7] =	sst s10  }
0x35: {  	s10 =	sld [smem:$0x3FB6];
	_ =	sdelay $0x3  }
0x36: {  	p1 =	seq.s32 s10, $0x1;
	s10 =	sld [smem:$0x3FB7];
	_ =	sdelay $0x3  }
0x37: {  	[smem:$0x3FB7] =	sst s10  }
0x38: {  	s10 =	sld [smem:$0x3FB8]  }
0x39: {  	_ = 	snop;
	(pc) =	sbr.ind lr, $3  }
0x3a: {  	_ = 	snop  }
0x3b: {  	_ = 	snop  }
0x3c: {  	p2 =	seq.s32 s10, $0x1;
	s10 =	sld [smem:$0x3FB7]  }
0x3d: {  	_ =	shalt  }
0x3e: {  	_ =	shalt  }
0x3f: {  	_ =	shalt  }
0x40: {  	_ =	shalt  }
0x41: {  	_ =	shalt  }
0x42: {  	_ =	shalt  }
0x43: {  	_ =	shalt  }
0x44: {  	_ =	shalt  }
0x45: {  	_ =	shalt  }
0x46: {  	_ =	shalt  }
0x47: {  	_ =	shalt  }
0x48: {  	_ =	shalt  }
0x49: {  	_ =	shalt  }
0x4a: {  	_ =	shalt  }
0x4b: {  	_ =	shalt  }
0x4c: {  	_ =	shalt  }
0x4d: {  	_ =	shalt  }
0x4e: {  	_ =	shalt  }
0x4f: {  	_ =	shalt  }
0x50: {  	_ =	shalt  }
0x51: {  	_ =	shalt  }
0x52: {  	_ =	shalt  }
0x53: {  	_ =	shalt  }
0x54: {  	_ =	shalt  }
0x55: {  	_ =	shalt  }
0x56: {  	_ =	shalt  }
0x57: {  	_ =	shalt  }
0x58: {  	_ =	shalt  }
0x59: {  	_ =	shalt  }
0x5a: {  	_ =	shalt  }
0x5b: {  	_ =	shalt  }
0x5c: {  	_ =	shalt  }
0x5d: {  	_ =	shalt  }
0x5e: {  	_ =	shalt  }
0x5f: {  	_ =	shalt  }
0x60: {  	_ =	shalt  }
0x61: {  	_ =	shalt  }
0x62: {  	_ =	shalt  }
0x63: {  	_ =	shalt  }
0x64: {  	_ =	shalt  }
0x65: {  	_ =	shalt  }
0x66: {  	_ =	shalt  }
0x67: {  	_ =	shalt  }
0x68: {  	_ =	shalt  }
0x69: {  	_ =	shalt  }
0x6a: {  	_ =	shalt  }
0x6b: {  	_ =	shalt  }
0x6c: {  	_ =	shalt  }
0x6d: {  	_ =	shalt  }
0x6e: {  	_ =	shalt  }
0x6f: {  	_ =	shalt  }
0x70: {  	_ =	shalt  }
0x71: {  	_ =	shalt  }
0x72: {  	_ =	shalt  }
0x73: {  	_ =	shalt  }
0x74: {  	_ =	shalt  }
0x75: {  	_ =	shalt  }
0x76: {  	_ =	shalt  }
0x77: {  	_ =	shalt  }
0x78: {  	_ =	shalt  }
0x79: {  	_ =	shalt  }
0x7a: {  	_ =	shalt  }
0x7b: {  	_ =	shalt  }
0x7c: {  	_ =	shalt  }
0x7d: {  	_ =	shalt  }
0x7e: {  	_ =	shalt  }
0x7f: {  	_ =	shalt  }
0x80: {  	_ =	shalt  }
0x81: {  	_ =	shalt  }
0x82: {  	_ =	shalt  }
0x83: {  	_ =	shalt  }
0x84: {  	_ =	shalt  }
0x85: {  	_ =	shalt  }
0x86: {  	_ =	shalt  }
0x87: {  	_ =	shalt  }
.Lfunc_end0:
.L_simem_size_0:
called_computation.1_lowered:
.L_overlay_start_0:
0x88: {  	s2 =	sld [smem:$0x3FD9]  }
0x89: {  	s3 =	sld [smem:$0x3FFE];
	_ =	sdelay $0x1  }
0x8a: {  	s1 =	srdreg.scid  }
0x8b: {  	s0 =	sand.u32 $0x1, s1  }
0x8c: {  	s14 =	sshll.u32 s0, $0xA;
	s2 =	sadd.s32 s3, s2  }
0x8d: {  	s2 =	sadd.s32 s2, s14  }
0x8e: {  	[smem:$0x3FC3] =	sst s2  }
0x8f: {  	_ = 	snop  }
0x90: {  	s2 =	sld [smem:$0x3FD0];
	_ =	sdelay $0x2  }
0x91: {  	s15 =	simm.s32 $0xA;
	s4 =	simm.s32 $0x10  }
0x92: {  	[smem:s4], [sflag:s15] =	dma.local [hbm:s2], $0x1  }
0x93: {  	_ =	swait.eq [sflag:s15], $0x1  }
0x94: {  	[sflag:s15] =	ssyncset.done $0x0  }
0x95: {  	[sflag:s15] =	ssyncadd.s32 $0xFFFFFFFF  }
0x96: {  	s16 =	sld [smem:$0x10];
	(tm) =	ssettm $0x1  }
0x97: {  	s17 =	sld [smem:$0x3FFB];
	_ =	sdelay $0x3  }
0x98: {  	_ =	strace s17  }
0x99: {  	s3 =	sld [smem:$0x3FFC];
	_ =	sdelay $0x3  }
0x9a: {  	_ =	strace s3  }
0x9b: {  	s3 =	sld [smem:$0x3FFD];
	_ =	sdelay $0x3  }
0x9c: {  	_ =	strace s3  }
0x9d: {  	_ =	strace $0x8FFFFFFF  }
0x9e: {  	s18 =	sld [smem:$0x3FDB];
	_ =	sdelay $0x1  }
0x9f: {  	s19 =	simm.s32 $_scs_section_size  }
0xa0: {  	s5 =	simm.s32 $_size__tile_overlayer_lowered;
	s6 =	simm.s32 $_tile_overlayer_lowered  }
0xa1: {  	s22 =	simm.s32 $0x1BFF;
	s21 =	sshll.u32 s6, $0x1;
	s3 =	sadd.s32 s19, s18  }
0xa2: {  	s7 =	simm.s32 $0x0;
	s20 =	sshll.u32 s5, $0x1;
	s5 =	sadd.s32 s21, s3  }
0xa3: {  	[timem:s7], [sflag:s22] =	dma.local [hbm:s5], s20  }
0xa4: {  	_ =	swait.ge [sflag:s22], s20  }
0xa5: {  	s4 =	ssub.s32 $0x0, s20;
	[sflag:s22] =	ssyncset.done $0x0  }
0xa6: {  	[sflag:s22] =	ssyncadd.s32 s4;
	_ =	sdelay $0x1  }
0xa7: {  	s23 =	simm.s32 $0x1B8B  }
0xa8: {  	_ =	swait.ge [sflag:s23], $0x1  }
0xa9: {  	[sflag:s23] =	ssyncset.done $0x0  }
0xaa: {  	s25 =	simm.s32 $0x1B8E;
	s24 =	sld [smem:$0x3FFE];
	[sflag:s23] =	ssyncadd.s32 $0xFFFFFFFF  }
0xab: {  	s26 =	simm.s32 $execute0_lowered;
	[smem:$0x3FD2] =	sst s25  }
0xac: {  	s5 =	sshll.u32 s26, $0x1;
	_ =	strace $0x80000049;
	[dreg:$0x1] =	wrdreg $0xFFFFFFFF  }
0xad: {  	s28 =	simm.s32 $_size_execute0_lowered;
	s3 =	sadd.s32 s3, s5;
	[dreg:$0x0] =	wrdreg $0x0  }
0xae: {  	s5 =	sshll.u32 s28, $0x1;
	[dreg:$0x2] =	wrdreg s3  }
0xaf: {  	[dreg:$0x3] =	wrdreg s5  }
0xb0: {  	[dreg:$0x4] =	wrdreg $0xC0  }
0xb1: {  	_ =	task [dreg:s7], $0x5FFFF  }
0xb2: {  	[dreg:$0x1] =	wrdreg $0xFFFFFFFF  }
0xb3: {  	[dreg:$0x0] =	wrdreg $0x60  }
0xb4: {  	[dreg:$0x2] =	wrdreg s24  }
0xb5: {  	[dreg:$0x3] =	wrdreg s16  }
0xb6: {  	[dreg:$0x4] =	wrdreg $0x9  }
0xb7: {  	_ =	task.clear_ibuf [dreg:s7], $0x5FFFF;
	_ =	strace $0x90000049  }
0xb8: {  	s29 =	simm.s32 $0x9;
	_ =	strace $0x8000004B  }
0xb9: {  	_ =	swait.ge [sflag:s29], $0x1  }
0xba: {  	[sflag:s29] =	ssyncadd.s32 $0xFFFFFFFF  }
0xbb: {  	_ =	strace $0x9000004B  }
0xbc: {  	_ =	sfence  }
0xbd: {  	s30 =	sld [smem:$0x0];
	_ =	sdelay $0x2  }
0xbe: {  	s31 =	sshll.u32 s1, $0xD;
	s1 =	sshrl.u32 s1, $0x2  }
0xbf: {  	s3 =	sand.u32 $0x4000, s31;
	s1 =	sadd.s32 s1, s30  }
0xc0: {  	s0 =	sor.u32 s3, s0;
	s1 =	sshll.u32 s1, $0x11  }
0xc1: {  	s0 =	sor.u32 s1, s0  }
0xc2: {  	s0 =	sadd.s32 $0x8F2B, s0  }
0xc3: {  	[sflag:s0] =	ssyncadd.remote.s32 $0x1  }
0xc4: {  	_ =	sfence.sel $0xFFFF  }
0xc5: {  	[dreg:$0x0] =	wrdreg $0xFFFFFFFF;
	(pc) =	sbr.abs _section_cstart, $3  }
0xc6: {  	[dreg:$0x1] =	wrdreg $0xFFFFFFFF  }
0xc7: {  	_ =	task.clear_ibuf [dreg:s7], $0x2FFFF;
	_ =	strace $0x9FFFFFFF  }
0xc8: {  	(tm) =	ssettm $0x7FFFFFFF  }
0xc9: {  	_ =	shalt  }
tec
execute0_lowered:
.L_overlay_start_1:
0x0: {  	(tag) =	ssettag $0x1  }
0x1: {  	s2 =	srdreg.scid;
	s1 =	rddreg [dreg:$0x0]  }
0x2: {  	s3 =	rddreg [dreg:$0x1];
	s4 =	sand.u32 $0x1, s2;
	s2 =	simm.s32 $0x0  }
0x3: {  	s0 =	stileid.u32;
	s25 =	simm.s32 $0x880;
	[smem:$0x7FF] =	sst s2  }
0x4: {  	s26 =	simm.s32 $0x1080;
	_ =	strace $0x8000004A;
	[dreg:$0x5] =	wrdreg s25  }
0x5: {  	s5 =	sshll.u32 s0, $0x5;
	s0 =	simm.s32 $0x1880;
	[dreg:$0x6] =	wrdreg s26  }
0x6: {  	s7 =	simm.s32 $0x3080;
	[dreg:$0x7] =	wrdreg s0  }
0x7: {  	s8 =	simm.s32 $0x3880;
	[dreg:$0xa] =	wrdreg s7  }
0x8: {  	s9 =	simm.s32 $0x4080;
	[dreg:$0xb] =	wrdreg s8  }
0x9: {  	s10 =	simm.s32 $0x4880;
	[dreg:$0xc] =	wrdreg s9  }
0xa: {  	s11 =	simm.s32 $0x5080;
	[dreg:$0xd] =	wrdreg s10  }
0xb: {  	s12 =	simm.s32 $0x5880;
	[dreg:$0xe] =	wrdreg s11  }
0xc: {  	s13 =	simm.s32 $0x6080;
	[dreg:$0xf] =	wrdreg s12  }
0xd: {  	s14 =	simm.s32 $0x6880;
	[dreg:$0x10] =	wrdreg s13  }
0xe: {  	s15 =	simm.s32 $0x7080;
	[dreg:$0x11] =	wrdreg s14  }
0xf: {  	s16 =	simm.s32 $0x7880;
	s17 =	simm.s32 $0x8080;
	[dreg:$0x12] =	wrdreg s15  }
0x10: {  	s18 =	simm.s32 $0x8880;
	s19 =	simm.s32 $0x9080;
	[dreg:$0x13] =	wrdreg s16  }
0x11: {  	s21 =	simm.s32 $0x9880;
	s22 =	simm.s32 $0xA080;
	[dreg:$0x14] =	wrdreg s17  }
0x12: {  	s23 =	simm.s32 $0xB080;
	s24 =	simm.s32 $0xB880;
	[dreg:$0x15] =	wrdreg s18  }
0x13: {  	s28 =	simm.s32 $0x16080;
	s29 =	simm.s32 $0x16880;
	[dreg:$0x16] =	wrdreg s19  }
0x14: {  	s30 =	simm.s32 $0x17080;
	s31 =	simm.s32 $0x17880;
	[dreg:$0x17] =	wrdreg s21  }
0x15: {  	s6 =	sshll.u32 s4, $0x4;
	s4 =	ssub.s32 $0x2, s4;
	[dreg:$0x18] =	wrdreg s22  }
0x16: {  	s5 =	sor.u32 s6, s5;
	s20 =	sshrl.u32 s4, $0x1;
	[dreg:$0x1a] =	wrdreg s23  }
0x17: {  	s7 =	simm.s32 $0xA880;
	[dreg:$0x1b] =	wrdreg s24;
	s25 =	simm.s32 $0xC080  }
0x18: {  	s8 =	simm.s32 $0x80;
	s26 =	simm.s32 $0xC880;
	s10 =	simm.s32 $0xD880  }
0x19: {  	s11 =	simm.s32 $0xE080;
	s12 =	simm.s32 $0xE880;
	s13 =	simm.s32 $0xF080  }
0x1a: {  	s14 =	simm.s32 $0xF880;
	s15 =	simm.s32 $0x10080;
	s16 =	simm.s32 $0x10880  }
0x1b: {  	s17 =	simm.s32 $0x11080;
	s18 =	simm.s32 $0x11880;
	s19 =	simm.s32 $0x12080  }
0x1c: {  	s21 =	simm.s32 $0x13080;
	s22 =	simm.s32 $0x13880;
	[dreg:$0x19] =	wrdreg s7  }
0x1d: {  	s6 =	sadd.s32 s5, s1;
	s5 =	smul.u32 $0x300, s5;
	[dreg:$0x1c] =	wrdreg s25  }
0x1e: {  	s23 =	simm.s32 $0x14080;
	[dreg:$0x1d] =	wrdreg s26;
	s6 =	sadd.s32 $0x1000, s6  }
0x1f: {  	s24 =	simm.s32 $0x14880;
	[dreg:$0x3] =	wrdreg s6;
	s3 =	sadd.s32 s3, s5  }
0x20: {  	s7 =	simm.s32 $0x2;
	s5 =	simm.s32 $0x2080;
	[dreg:$0x4] =	wrdreg s3  }
0x21: {  	s25 =	simm.s32 $0x15080;
	s6 =	simm.s32 $0x2880;
	[dreg:$0x8] =	wrdreg s5  }
0x22: {  	v2 =	vlaneseq.u32;
	s26 =	simm.s32 $0x15880;
	[dreg:$0x9] =	wrdreg s6;
	s3 =	sadd.s32 $0x121200, s1  }
0x23: {  	vm0 =	vmmov $0xffff;
	v1 =	vshrl.u32 v2, $0x3;
	s6 =	ssub.s32 s4, s20;
	s4 =	sadd.s32 $0x121300, s1;
	s5 =	sadd.s32 $0x121400, s1  }
0x24: {  	v0 =	vand.u32 $0x7, v2;
	v2 =	vor.u32 $0x8, v2;
	v1 =	vmul.u32 $0x8, v1;
	s20 =	simm.s32 $0x12880;
	s1 =	simm.s32 $0x1;
	s6 =	smax.u32 s6, $0x1  }
.LBB2_1:
0x25: {  	s0 =	rddreg [dreg:$0x3]  }
0x26: {  	[tilespmem:s2], [sflag:$0x2] =	stream.linear.gather [hbm4b:s0+s2], $0x80, $0x38;
	[tilespmem:$0x18080] =	vst v63  }
0x27: {  	_ =	swait.ge [sflag:s7], $0x80  }
0x28: {  	[sflag:s7] =	ssyncset.done $0x0  }
0x29: {  	[sflag:s7] =	ssyncadd.s32 $0xFFFFFF80  }
0x2a: {  	v3 =	vld [tilespmem:$0x0];
	_ =	sdelay $0x4  }
0x2b: {  	v4 =	vshrl.u32 v3, $0x3  }
0x2c: {  	v4 =	vmul.u32 $0x30, v4  }
0x2d: {  	v3 =	vand.u32 $0x7, v3  }
0x2e: {  	v3 =	vor.u32 v3, v4  }
0x2f: {  	v4 =	vperm.xlane v3, v0;
	_ =	sdelay $0x1  }
0x30: {  	v4 =	vadd.s32 v1, v4;
	_ =	sdelay $0x3  }
0x31: {  	v3 =	vperm.xlane v3, v2  }
0x32: {  	[tilespmem:s8], [sflag:$0x1] =	stream.indirect_vreg.gather [hbm4b:s3+s2], $0x80, v4, vm0, $0xb8;
	[tilespmem:$0x18080] =	vst v63  }
0x33: {  	s0 =	rddreg [dreg:$0x5];
	v3 =	vadd.s32 v1, v3  }
0x34: {  	[tilespmem:s0], [sflag:$0x1] =	stream.indirect_vreg.gather [hbm4b:s4+s2], $0x80, v4, vm0, $0xb8;
	[tilespmem:$0x18080] =	vst v63  }
0x35: {  	s9 =	rddreg [dreg:$0x6]  }
0x36: {  	[tilespmem:s9], [sflag:$0x1] =	stream.indirect_vreg.gather [hbm4b:s5+s2], $0x80, v4, vm0, $0xb8;
	[tilespmem:$0x18080] =	vst v63  }
0x37: {  	s0 =	rddreg [dreg:$0x7]  }
0x38: {  	[tilespmem:s0], [sflag:$0x1] =	stream.indirect_vreg.gather [hbm4b:s3+s2], $0x80, v3, vm0, $0xb8;
	[tilespmem:$0x18080] =	vst v63  }
0x39: {  	s9 =	rddreg [dreg:$0x8]  }
0x3a: {  	[tilespmem:s9], [sflag:$0x1] =	stream.indirect_vreg.gather [hbm4b:s4+s2], $0x80, v3, vm0, $0xb8;
	[tilespmem:$0x18080] =	vst v63  }
0x3b: {  	s0 =	rddreg [dreg:$0x9]  }
0x3c: {  	[tilespmem:s0], [sflag:$0x1] =	stream.indirect_vreg.gather [hbm4b:s5+s2], $0x80, v3, vm0, $0xb8;
	[tilespmem:$0x18080] =	vst v63  }
0x3d: {  	v3 =	vld [tilespmem:$0x10];
	_ =	sdelay $0x4  }
0x3e: {  	v57 =	vshrl.u32 v3, $0x3  }
0x3f: {  	v4 =	vmul.u32 $0x30, v57  }
0x40: {  	v3 =	vand.u32 $0x7, v3  }
0x41: {  	v3 =	vor.u32 v3, v4  }
0x42: {  	v4 =	vperm.xlane v3, v0;
	_ =	sdelay $0x1  }
0x43: {  	v4 =	vadd.s32 v1, v4;
	_ =	sdelay $0x3  }
0x44: {  	s0 =	rddreg [dreg:$0xa];
	v3 =	vperm.xlane v3, v2  }
0x45: {  	[tilespmem:s0], [sflag:$0x1] =	stream.indirect_vreg.gather [hbm4b:s3+s2], $0x80, v4, vm0, $0xb8;
	[tilespmem:$0x18080] =	vst v63  }
0x46: {  	s9 =	rddreg [dreg:$0xb];
	v3 =	vadd.s32 v1, v3  }
0x47: {  	[tilespmem:s9], [sflag:$0x1] =	stream.indirect_vreg.gather [hbm4b:s4+s2], $0x80, v4, vm0, $0xb8;
	[tilespmem:$0x18080] =	vst v63  }
0x48: {  	s0 =	rddreg [dreg:$0xc]  }
0x49: {  	[tilespmem:s0], [sflag:$0x1] =	stream.indirect_vreg.gather [hbm4b:s5+s2], $0x80, v4, vm0, $0xb8;
	[tilespmem:$0x18080] =	vst v63  }
0x4a: {  	s9 =	rddreg [dreg:$0xd]  }
0x4b: {  	[tilespmem:s9], [sflag:$0x1] =	stream.indirect_vreg.gather [hbm4b:s3+s2], $0x80, v3, vm0, $0xb8;
	[tilespmem:$0x18080] =	vst v63  }
0x4c: {  	s0 =	rddreg [dreg:$0xe]  }
0x4d: {  	[tilespmem:s0], [sflag:$0x1] =	stream.indirect_vreg.gather [hbm4b:s4+s2], $0x80, v3, vm0, $0xb8;
	[tilespmem:$0x18080] =	vst v63  }
0x4e: {  	s9 =	rddreg [dreg:$0xf]  }
0x4f: {  	[tilespmem:s9], [sflag:$0x1] =	stream.indirect_vreg.gather [hbm4b:s5+s2], $0x80, v3, vm0, $0xb8;
	[tilespmem:$0x18080] =	vst v63  }
0x50: {  	v3 =	vld [tilespmem:$0x20];
	_ =	sdelay $0x4  }
0x51: {  	v58 =	vshrl.u32 v3, $0x3  }
0x52: {  	v4 =	vmul.u32 $0x30, v58  }
0x53: {  	v3 =	vand.u32 $0x7, v3  }
0x54: {  	v3 =	vor.u32 v3, v4  }
0x55: {  	v4 =	vperm.xlane v3, v0;
	_ =	sdelay $0x1  }
0x56: {  	v4 =	vadd.s32 v1, v4;
	_ =	sdelay $0x3  }
0x57: {  	s0 =	rddreg [dreg:$0x10];
	v3 =	vperm.xlane v3, v2  }
0x58: {  	[tilespmem:s0], [sflag:$0x1] =	stream.indirect_vreg.gather [hbm4b:s3+s2], $0x80, v4, vm0, $0xb8;
	[tilespmem:$0x18080] =	vst v63  }
0x59: {  	s9 =	rddreg [dreg:$0x11];
	v3 =	vadd.s32 v1, v3  }
0x5a: {  	[tilespmem:s9], [sflag:$0x1] =	stream.indirect_vreg.gather [hbm4b:s4+s2], $0x80, v4, vm0, $0xb8;
	[tilespmem:$0x18080] =	vst v63  }
0x5b: {  	s0 =	rddreg [dreg:$0x12]  }
0x5c: {  	[tilespmem:s0], [sflag:$0x1] =	stream.indirect_vreg.gather [hbm4b:s5+s2], $0x80, v4, vm0, $0xb8;
	[tilespmem:$0x18080] =	vst v63  }
0x5d: {  	s9 =	rddreg [dreg:$0x13]  }
0x5e: {  	[tilespmem:s9], [sflag:$0x1] =	stream.indirect_vreg.gather [hbm4b:s3+s2], $0x80, v3, vm0, $0xb8;
	[tilespmem:$0x18080] =	vst v63  }
0x5f: {  	s0 =	rddreg [dreg:$0x14]  }
0x60: {  	[tilespmem:s0], [sflag:$0x1] =	stream.indirect_vreg.gather [hbm4b:s4+s2], $0x80, v3, vm0, $0xb8;
	[tilespmem:$0x18080] =	vst v63  }
0x61: {  	s9 =	rddreg [dreg:$0x15]  }
0x62: {  	[tilespmem:s9], [sflag:$0x1] =	stream.indirect_vreg.gather [hbm4b:s5+s2], $0x80, v3, vm0, $0xb8;
	[tilespmem:$0x18080] =	vst v63  }
0x63: {  	v3 =	vld [tilespmem:$0x30];
	_ =	sdelay $0x4  }
0x64: {  	v59 =	vshrl.u32 v3, $0x3  }
0x65: {  	v4 =	vmul.u32 $0x30, v59  }
0x66: {  	v3 =	vand.u32 $0x7, v3  }
0x67: {  	v3 =	vor.u32 v3, v4  }
0x68: {  	v4 =	vperm.xlane v3, v0;
	_ =	sdelay $0x1  }
0x69: {  	v4 =	vadd.s32 v1, v4;
	_ =	sdelay $0x3  }
0x6a: {  	s0 =	rddreg [dreg:$0x16];
	v3 =	vperm.xlane v3, v2  }
0x6b: {  	[tilespmem:s0], [sflag:$0x1] =	stream.indirect_vreg.gather [hbm4b:s3+s2], $0x80, v4, vm0, $0xb8;
	[tilespmem:$0x18080] =	vst v63  }
0x6c: {  	s9 =	rddreg [dreg:$0x17];
	v3 =	vadd.s32 v1, v3  }
0x6d: {  	[tilespmem:s9], [sflag:$0x1] =	stream.indirect_vreg.gather [hbm4b:s4+s2], $0x80, v4, vm0, $0xb8;
	[tilespmem:$0x18080] =	vst v63  }
0x6e: {  	s0 =	rddreg [dreg:$0x18]  }
0x6f: {  	[tilespmem:s0], [sflag:$0x1] =	stream.indirect_vreg.gather [hbm4b:s5+s2], $0x80, v4, vm0, $0xb8;
	[tilespmem:$0x18080] =	vst v63  }
0x70: {  	s9 =	rddreg [dreg:$0x19]  }
0x71: {  	[tilespmem:s9], [sflag:$0x1] =	stream.indirect_vreg.gather [hbm4b:s3+s2], $0x80, v3, vm0, $0xb8;
	[tilespmem:$0x18080] =	vst v63  }
0x72: {  	s0 =	rddreg [dreg:$0x1a]  }
0x73: {  	[tilespmem:s0], [sflag:$0x1] =	stream.indirect_vreg.gather [hbm4b:s4+s2], $0x80, v3, vm0, $0xb8;
	[tilespmem:$0x18080] =	vst v63  }
0x74: {  	s9 =	rddreg [dreg:$0x1b]  }
0x75: {  	[tilespmem:s9], [sflag:$0x1] =	stream.indirect_vreg.gather [hbm4b:s5+s2], $0x80, v3, vm0, $0xb8;
	[tilespmem:$0x18080] =	vst v63  }
0x76: {  	v3 =	vld [tilespmem:$0x40];
	_ =	sdelay $0x4  }
0x77: {  	v60 =	vshrl.u32 v3, $0x3  }
0x78: {  	v4 =	vmul.u32 $0x30, v60  }
0x79: {  	v3 =	vand.u32 $0x7, v3  }
0x7a: {  	v3 =	vor.u32 v3, v4  }
0x7b: {  	v4 =	vperm.xlane v3, v0;
	_ =	sdelay $0x1  }
0x7c: {  	v4 =	vadd.s32 v1, v4;
	_ =	sdelay $0x3  }
0x7d: {  	s0 =	rddreg [dreg:$0x1c];
	v3 =	vperm.xlane v3, v2  }
0x7e: {  	[tilespmem:s0], [sflag:$0x1] =	stream.indirect_vreg.gather [hbm4b:s3+s2], $0x80, v4, vm0, $0xb8;
	[tilespmem:$0x18080] =	vst v63  }
0x7f: {  	s9 =	rddreg [dreg:$0x1d];
	v3 =	vadd.s32 v1, v3  }
0x80: {  	[tilespmem:s9], [sflag:$0x1] =	stream.indirect_vreg.gather [hbm4b:s4+s2], $0x80, v4, vm0, $0xb8;
	[tilespmem:$0x18080] =	vst v63  }
0x81: {  	s9 =	simm.s32 $0xD080  }
0x82: {  	[tilespmem:s9], [sflag:$0x1] =	stream.indirect_vreg.gather [hbm4b:s5+s2], $0x80, v4, vm0, $0xb8;
	[tilespmem:$0x18080] =	vst v63  }
0x83: {  	_ = 	snop  }
0x84: {  	[tilespmem:s10], [sflag:$0x1] =	stream.indirect_vreg.gather [hbm4b:s3+s2], $0x80, v3, vm0, $0xb8;
	[tilespmem:$0x18080] =	vst v63  }
0x85: {  	_ = 	snop  }
0x86: {  	[tilespmem:s11], [sflag:$0x1] =	stream.indirect_vreg.gather [hbm4b:s4+s2], $0x80, v3, vm0, $0xb8;
	[tilespmem:$0x18080] =	vst v63  }
0x87: {  	_ = 	snop  }
0x88: {  	[tilespmem:s12], [sflag:$0x1] =	stream.indirect_vreg.gather [hbm4b:s5+s2], $0x80, v3, vm0, $0xb8;
	[tilespmem:$0x18080] =	vst v63  }
0x89: {  	v3 =	vld [tilespmem:$0x50];
	_ =	sdelay $0x4  }
0x8a: {  	v61 =	vshrl.u32 v3, $0x3  }
0x8b: {  	v4 =	vmul.u32 $0x30, v61  }
0x8c: {  	v3 =	vand.u32 $0x7, v3  }
0x8d: {  	v3 =	vor.u32 v3, v4  }
0x8e: {  	v4 =	vperm.xlane v3, v0;
	_ =	sdelay $0x1  }
0x8f: {  	v4 =	vadd.s32 v1, v4;
	_ =	sdelay $0x3  }
0x90: {  	v3 =	vperm.xlane v3, v2  }
0x91: {  	[tilespmem:s13], [sflag:$0x1] =	stream.indirect_vreg.gather [hbm4b:s3+s2], $0x80, v4, vm0, $0xb8;
	[tilespmem:$0x18080] =	vst v63  }
0x92: {  	v3 =	vadd.s32 v1, v3  }
0x93: {  	[tilespmem:s14], [sflag:$0x1] =	stream.indirect_vreg.gather [hbm4b:s4+s2], $0x80, v4, vm0, $0xb8;
	[tilespmem:$0x18080] =	vst v63  }
0x94: {  	_ = 	snop  }
0x95: {  	[tilespmem:s15], [sflag:$0x1] =	stream.indirect_vreg.gather [hbm4b:s5+s2], $0x80, v4, vm0, $0xb8;
	[tilespmem:$0x18080] =	vst v63  }
0x96: {  	_ = 	snop  }
0x97: {  	[tilespmem:s16], [sflag:$0x1] =	stream.indirect_vreg.gather [hbm4b:s3+s2], $0x80, v3, vm0, $0xb8;
	[tilespmem:$0x18080] =	vst v63  }
0x98: {  	_ = 	snop  }
0x99: {  	[tilespmem:s17], [sflag:$0x1] =	stream.indirect_vreg.gather [hbm4b:s4+s2], $0x80, v3, vm0, $0xb8;
	[tilespmem:$0x18080] =	vst v63  }
0x9a: {  	_ = 	snop  }
0x9b: {  	[tilespmem:s18], [sflag:$0x1] =	stream.indirect_vreg.gather [hbm4b:s5+s2], $0x80, v3, vm0, $0xb8;
	[tilespmem:$0x18080] =	vst v63  }
0x9c: {  	v3 =	vld [tilespmem:$0x60];
	_ =	sdelay $0x4  }
0x9d: {  	v62 =	vshrl.u32 v3, $0x3  }
0x9e: {  	v4 =	vmul.u32 $0x30, v62  }
0x9f: {  	v3 =	vand.u32 $0x7, v3  }
0xa0: {  	v3 =	vor.u32 v3, v4  }
0xa1: {  	v4 =	vperm.xlane v3, v0;
	_ =	sdelay $0x1  }
0xa2: {  	v4 =	vadd.s32 v1, v4;
	_ =	sdelay $0x3  }
0xa3: {  	v3 =	vperm.xlane v3, v2  }
0xa4: {  	[tilespmem:s19], [sflag:$0x1] =	stream.indirect_vreg.gather [hbm4b:s3+s2], $0x80, v4, vm0, $0xb8;
	[tilespmem:$0x18080] =	vst v63  }
0xa5: {  	v3 =	vadd.s32 v1, v3  }
0xa6: {  	[tilespmem:s20], [sflag:$0x1] =	stream.indirect_vreg.gather [hbm4b:s4+s2], $0x80, v4, vm0, $0xb8;
	[tilespmem:$0x18080] =	vst v63  }
0xa7: {  	_ = 	snop  }
0xa8: {  	[tilespmem:s21], [sflag:$0x1] =	stream.indirect_vreg.gather [hbm4b:s5+s2], $0x80, v4, vm0, $0xb8;
	[tilespmem:$0x18080] =	vst v63  }
0xa9: {  	_ = 	snop  }
0xaa: {  	[tilespmem:s22], [sflag:$0x1] =	stream.indirect_vreg.gather [hbm4b:s3+s2], $0x80, v3, vm0, $0xb8;
	[tilespmem:$0x18080] =	vst v63  }
0xab: {  	_ = 	snop  }
0xac: {  	[tilespmem:s23], [sflag:$0x1] =	stream.indirect_vreg.gather [hbm4b:s4+s2], $0x80, v3, vm0, $0xb8;
	[tilespmem:$0x18080] =	vst v63  }
0xad: {  	_ = 	snop  }
0xae: {  	[tilespmem:s24], [sflag:$0x1] =	stream.indirect_vreg.gather [hbm4b:s5+s2], $0x80, v3, vm0, $0xb8;
	[tilespmem:$0x18080] =	vst v63  }
0xaf: {  	v3 =	vld [tilespmem:$0x70];
	_ =	sdelay $0x4  }
0xb0: {  	v63 =	vshrl.u32 v3, $0x3  }
0xb1: {  	v4 =	vmul.u32 $0x30, v63  }
0xb2: {  	v3 =	vand.u32 $0x7, v3  }
0xb3: {  	v3 =	vor.u32 v3, v4  }
0xb4: {  	v4 =	vperm.xlane v3, v0;
	_ =	sdelay $0x1  }
0xb5: {  	v4 =	vadd.s32 v1, v4;
	_ =	sdelay $0x3  }
0xb6: {  	v3 =	vperm.xlane v3, v2  }
0xb7: {  	[tilespmem:s25], [sflag:$0x1] =	stream.indirect_vreg.gather [hbm4b:s3+s2], $0x80, v4, vm0, $0xb8;
	[tilespmem:$0x18080] =	vst v63  }
0xb8: {  	v3 =	vadd.s32 v1, v3  }
0xb9: {  	[tilespmem:s26], [sflag:$0x1] =	stream.indirect_vreg.gather [hbm4b:s4+s2], $0x80, v4, vm0, $0xb8;
	[tilespmem:$0x18080] =	vst v63  }
0xba: {  	_ = 	snop  }
0xbb: {  	[tilespmem:s28], [sflag:$0x1] =	stream.indirect_vreg.gather [hbm4b:s5+s2], $0x80, v4, vm0, $0xb8;
	[tilespmem:$0x18080] =	vst v63  }
0xbc: {  	_ = 	snop  }
0xbd: {  	[tilespmem:s29], [sflag:$0x1] =	stream.indirect_vreg.gather [hbm4b:s3+s2], $0x80, v3, vm0, $0xb8;
	[tilespmem:$0x18080] =	vst v63  }
0xbe: {  	_ = 	snop  }
0xbf: {  	[tilespmem:s30], [sflag:$0x1] =	stream.indirect_vreg.gather [hbm4b:s4+s2], $0x80, v3, vm0, $0xb8;
	[tilespmem:$0x18080] =	vst v63  }
0xc0: {  	_ = 	snop  }
0xc1: {  	[tilespmem:s31], [sflag:$0x1] =	stream.indirect_vreg.gather [hbm4b:s5+s2], $0x80, v3, vm0, $0xb8;
	[tilespmem:$0x18080] =	vst v63  }
0xc2: {  	_ =	swait.ge [sflag:s1], $0x18000  }
0xc3: {  	p0 =	sne.s32 s6, $0x1;
	[sflag:s1] =	ssyncset.done $0x0  }
.Ltmp0:
0xc4: {  	s9 =	rddreg [dreg:$0x4];
	[sflag:s1] =	ssyncadd.s32 $0xFFFE8000;
	(pc) =	sbr.rel @p0 .LBB2_1-.Ltmp0, $4  }
0xc5: {  	[hbm4b:s9+s2] =	stream.linear.scatter [tilespmem:s8], [sflag:$0x2], $0x18000, $0x38;
	[tilespmem:$0x18080] =	vst v63  }
0xc6: {  	_ =	swait.ge [sflag:s7], $0x18000  }
0xc7: {  	[sflag:s7] =	ssyncset.done $0x0  }
0xc8: {  	s6 =	sadd.s32 $0xFFFFFFFF, s6;
	[sflag:s7] =	ssyncadd.s32 $0xFFFE8000  }
0xc9: {  	_ =	sfence.sel $0x180000  }
0xca: {  	[bflag:$0x0] =	sbarrier.arrive $0xFFFF  }
0xcb: {  	_ =	strace $0x9000004A  }
0xcc: {  	s0 =	stileid.u32;
	[bflag:$0x2] =	sbarrier.arrive $0xFFFF  }
0xcd: {  	p0 =	sne.s32 s0, $0x0;
	s0 =	rddreg [dreg:$0x2]  }
0xce: {  	s0 =	sadd.s32 @!p0 $0x100000, s0  }
0xcf: {  	[sflag:s0] =	ssyncadd.tile.s32 @!p0 $0x1;
	_ =	shalt  }
.Lfunc_end2:
_tile_overlayer_lowered:
.L_overlay_start_2:
0xd0: {  	(tag) =	ssettag $0x2  }
0xd1: {  	s0 =	rddreg [dreg:$0x0];
	s2 =	stileid.u32  }
0xd2: {  	s1 =	rddreg [dreg:$0x1];
	p0 =	sne.s32 s2, $0x0  }
0xd3: {  	s3 =	rddreg [dreg:$0x2];
	[bflag:$0x3] =	sbarrier.arrive $0xFFFF;
	s2 =	simm.s32 @!p0 $0x1C02  }
0xd4: {  	[timem:s3], [sflag:s2] =	dma.local @!p0 [hbm:s0], s1  }
0xd5: {  	s0 =	simm.s32 @!p0 $0x2  }
0xd6: {  	_ =	swait.ge @!p0 [sflag:s0], s1  }
0xd7: {  	s1 =	ssub.s32 @!p0 $0x0, s1;
	[sflag:s0] =	ssyncset.done @!p0 $0x0  }
0xd8: {  	[sflag:s0] =	ssyncadd.s32 @!p0 s1  }
0xd9: {  	[bflag:$0x3] =	sbarrier.arrive $0xFFFF  }
0xda: {  	_ =	shalt  }

</sc_bundles>
